<compile_context>
chip_gen: v7x
topology: tpu7x:2x2x1
jax: 0.10.2.dev20260603
libtpu: 0.0.44.dev20260713+nightly
codegen_flags: <defaults>
</compile_context>

<pallas_src>
import jax
import jax.numpy as jnp
from jax import lax
from jax.experimental import pallas as pl
from jax.experimental.pallas import tpu as pltpu
from jax.experimental.pallas import tpu_sc as plsc

_B, _C, _N, _K = 2, 256, 2048, 16
_G = 4
_LC, _NLC = 192, 64
_GC = _LC // _G
_NGC = _NLC // _G
_TN = 128
_F32 = jnp.float32
_HI = lax.Precision.HIGHEST

_NC, _NS = 2, 16
_JOBS = _B * _G
_PARTS = _NC * _NS // _JOBS
_SEG = _N * _K // _PARTS


def _local_body(x_ref, wq_ref, wk_ref, wv_ref, pout_ref, outl_ref):
    xb = x_ref[0]
    q = jnp.dot(wq_ref[...], xb, preferred_element_type=_F32)
    k = jnp.dot(wk_ref[...], xb, preferred_element_type=_F32)
    v = jnp.dot(wv_ref[...], xb, preferred_element_type=_F32)
    s = q * k
    grp = (lax.broadcasted_iota(jnp.int32, (_G, _LC), 1) // _GC
           == lax.broadcasted_iota(jnp.int32, (_G, _LC), 0)).astype(_F32)
    logits = lax.dot(grp, s, precision=_HI)
    l3 = logits.reshape(_G, _TN, _K)
    m = jnp.max(l3, axis=-1, keepdims=True)
    e = jnp.exp(l3 - m)
    p3 = e / jnp.sum(e, axis=-1, keepdims=True)
    pf = lax.dot(grp.T, p3.reshape(_G, _TN * _K), precision=_HI)
    seg = (lax.broadcasted_iota(jnp.int32, (_TN * _K, _TN), 0) // _K
           == lax.broadcasted_iota(jnp.int32, (_TN * _K, _TN), 1)).astype(_F32)
    outl_ref[0] = lax.dot(pf * v, seg, precision=_HI)
    pout_ref[0] = p3


_ROWS_PER_CHUNK = 32


def _sc_body(pout_hbm, idx_hbm, sp_hbm, il_hbm, vals_hbm, sidx_hbm, score_hbm,
             idx_v, val_v, sp_v, il_v, msk_v, acc_v, tmp_v, o16f, o16i,
             score_v, shared):
    c = lax.axis_index("c")
    s = lax.axis_index("s")
    job = c * (_JOBS // _NC) + s // _PARTS
    part = s % _PARTS
    b = job // _G
    base = part * _SEG
    pltpu.sync_copy(pout_hbm.at[job, pl.ds(base, _SEG)], val_v)
    pltpu.sync_copy(idx_hbm.at[b, pl.ds(base, _SEG)], idx_v)
    pltpu.sync_copy(sp_hbm.at[job, pl.ds(base, _SEG)], sp_v)
    pltpu.sync_copy(il_hbm.at[job, pl.ds(base, _SEG)], il_v)

    def zero_body(i, carry):
        acc_v[pl.ds(i * 16, 16)] = jnp.zeros((16,), _F32)
        return carry

    lax.fori_loop(0, _N // 16, zero_body, 0)

    pbase = job * (_N * _K) + base

    def inv_body(r, carry):
        o = r * _K
        pv = sp_v[pl.ds(o, _K)] - pbase
        fv = il_v[pl.ds(o, _K)]
        plsc.store_scatter(msk_v, [pv], fv)
        return carry

    lax.fori_loop(0, _SEG // _K, inv_body, 0)

    def row_body(r, carry):
        o = r * _K
        iv = idx_v[pl.ds(o, _K)]
        ov = val_v[pl.ds(o, _K)]
        mv = msk_v[pl.ds(o, _K)] != 0
        plsc.addupdate_scatter(acc_v, [iv], ov, mask=mv)
        return carry

    lax.fori_loop(0, _SEG // _K, row_body, 0)

    pltpu.sync_copy(acc_v, shared.at[s])
    plsc.subcore_barrier()

    @pl.when(part == 0)
    def _():
        for i in range(_PARTS):
            pltpu.sync_copy(shared.at[s + i], tmp_v.at[i])

        def tk_body(i, carry):
            tv, ti = carry
            o = i * 16
            v = (tmp_v[0, pl.ds(o, 16)] + tmp_v[1, pl.ds(o, 16)]
                 + tmp_v[2, pl.ds(o, 16)] + tmp_v[3, pl.ds(o, 16)])
            score_v[pl.ds(o, 16)] = v
            ids = lax.iota(jnp.int32, 16) + o
            mx = jnp.max(v)
            mn = jnp.min(tv)

            def merge(args):
                tv, ti, v, ids = args
                vs, is_ = plsc.sort_key_val(v, ids)
                take_a = tv >= vs
                mk = jnp.where(take_a, tv, vs)
                mi = jnp.where(take_a, ti, is_)
                nk, ni = plsc.sort_key_val(mk, mi, descending=True)
                return nk, ni

            def keep(args):
                tv, ti, _, _ = args
                return tv, ti

            return lax.cond(mx > mn, merge, keep, (tv, ti, v, ids))

        tv0 = jnp.full((16,), -1.0, _F32)
        ti0 = jnp.zeros((16,), jnp.int32)
        tv, ti = lax.fori_loop(0, _N // 16, tk_body, (tv0, ti0))
        o16f[...] = tv
        o16i[...] = ti
        pltpu.sync_copy(o16f, vals_hbm.at[job])
        pltpu.sync_copy(o16i, sidx_hbm.at[job])
        pltpu.sync_copy(score_v, score_hbm.at[job])


def _nl_body(absx_ref, wq_ref, wk_ref, wv_ref, sidx_ref, vals_ref, out_ref):
    ax = absx_ref[0]
    sel = sidx_ref[0, 0, 0]
    sval = vals_ref[0, 0, 0]
    oh = (lax.broadcasted_iota(jnp.int32, (_N, _K), 0) == sel[None, :]).astype(_F32)
    ag = lax.dot(ax, oh, precision=_HI)
    q = jnp.dot(wq_ref[...], ax, preferred_element_type=_F32)
    kg = jnp.dot(wk_ref[...], ag, preferred_element_type=_F32)
    vg = jnp.dot(wv_ref[...], ag, preferred_element_type=_F32)
    vg = vg * jnp.tanh(sval)[None, :]
    attT = lax.dot_general(kg, q, (((0,), (0,)), ((), ())),
                           preferred_element_type=_F32)
    m = jnp.max(attT, axis=0, keepdims=True)
    e = jnp.exp(attT - m)
    p = e / jnp.sum(e, axis=0, keepdims=True)
    out_ref[0, 0] = jnp.dot(vg, p, preferred_element_type=_F32)


_SC_MESH = plsc.VectorSubcoreMesh(core_axis_name="c", subcore_axis_name="s",
                                  num_cores=_NC, num_subcores=_NS)


def _score_topk(pout2, idx2, sp2, il2):
    return pl.kernel(
        _sc_body,
        out_type=[
            jax.ShapeDtypeStruct((_JOBS, _K), _F32),
            jax.ShapeDtypeStruct((_JOBS, _K), jnp.int32),
            jax.ShapeDtypeStruct((_JOBS, _N), _F32),
        ],
        mesh=_SC_MESH,
        compiler_params=pltpu.CompilerParams(needs_layout_passes=False),
        scratch_types=[
            pltpu.VMEM((_SEG,), jnp.int32),
            pltpu.VMEM((_SEG,), _F32),
            pltpu.VMEM((_SEG,), jnp.int32),
            pltpu.VMEM((_SEG,), jnp.int32),
            pltpu.VMEM((_SEG,), jnp.int32),
            pltpu.VMEM((_N,), _F32),
            pltpu.VMEM((_PARTS, _N), _F32),
            pltpu.VMEM((_K,), _F32),
            pltpu.VMEM((_K,), jnp.int32),
            pltpu.VMEM((_N,), _F32),
            pltpu.VMEM_SHARED((_NS, _N), _F32),
        ],
    )(pout2, idx2, sp2, il2)


def _stage_local(x, Wq, Wk, Wv):
    x2 = x.reshape(_B, _C, _N * _K)
    return pl.pallas_call(
        _local_body,
        grid=(_B, _N // _TN),
        in_specs=[
            pl.BlockSpec((1, _C, _TN * _K), lambda b, j: (b, 0, j)),
            pl.BlockSpec((_LC, _C), lambda b, j: (0, 0)),
            pl.BlockSpec((_LC, _C), lambda b, j: (0, 0)),
            pl.BlockSpec((_LC, _C), lambda b, j: (0, 0)),
        ],
        out_specs=[
            pl.BlockSpec((1, _G, _TN, _K), lambda b, j: (b, 0, j, 0)),
            pl.BlockSpec((1, _LC, _TN), lambda b, j: (b, 0, j)),
        ],
        out_shape=[
            jax.ShapeDtypeStruct((_B, _G, _N, _K), _F32),
            jax.ShapeDtypeStruct((_B, _LC, _N), _F32),
        ],
    )(x2, Wq, Wk, Wv)


def _keep_mask_sorted(idx3):
    bi = jnp.arange(_B, dtype=jnp.int32)[:, None, None, None]
    gi = jnp.arange(_G, dtype=jnp.int32)[None, :, None, None]
    ni = jnp.arange(_N, dtype=jnp.int32)[None, None, :, None]
    key4 = ((bi * _G + gi) * _N + ni) * _N + idx3[:, None]
    keyf = key4.reshape(-1)
    pos = jnp.arange(keyf.shape[0], dtype=jnp.int32)
    sk, sp = lax.sort((keyf, pos), num_keys=1, dimension=0, is_stable=False)
    is_last = jnp.concatenate(
        [sk[1:] != sk[:-1], jnp.ones((1,), jnp.bool_)]).astype(jnp.int32)
    return sp.reshape(_JOBS, _N * _K), is_last.reshape(_JOBS, _N * _K)


def kernel(x, abs_x, idx, Wq, Wk, Wv, Wq_nl, Wk_nl, Wv_nl):
    idx3 = idx.reshape(_B, _N, _K)
    pout, out_l = _stage_local(x, Wq, Wk, Wv)
    pout2 = pout.reshape(_JOBS, _N * _K)
    idx2 = idx3.reshape(_B, _N * _K)
    sp2, il2 = _keep_mask_sorted(idx3)
    vals, sidx, _score = _score_topk(pout2, idx2, sp2, il2)

    s4 = sidx.reshape(_B, _G, 1, _K)
    v4 = vals.reshape(_B, _G, 1, _K)
    ax3 = abs_x.reshape(_B, _C // 2, _N)
    out_all = pl.pallas_call(
        _nl_body,
        grid=(_B, _G),
        in_specs=[
            pl.BlockSpec((1, _C // 2, _N), lambda b, g: (b, 0, 0)),
            pl.BlockSpec((_NGC, _C // 2), lambda b, g: (g, 0)),
            pl.BlockSpec((_NGC, _C // 2), lambda b, g: (g, 0)),
            pl.BlockSpec((_NGC, _C // 2), lambda b, g: (g, 0)),
            pl.BlockSpec((1, 1, 1, _K), lambda b, g: (b, g, 0, 0)),
            pl.BlockSpec((1, 1, 1, _K), lambda b, g: (b, g, 0, 0)),
        ],
        out_specs=pl.BlockSpec((1, 1, _NGC, _N), lambda b, g: (b, g, 0, 0)),
        out_shape=jax.ShapeDtypeStruct((_B, _G, _NGC, _N), _F32),
    )(ax3, Wq_nl, Wk_nl, Wv_nl, s4, v4)

    return jnp.concatenate(
        [out_l.reshape(_B, _LC, _N, 1), out_all.reshape(_B, _NLC, _N, 1)],
        axis=1)

# --- scband reference (transcript-rebuilt; emitter-appended) ---
"""Pipeline reference for scband-attention-conv-8658654069070 (READ-ONLY COPY).

The authoritative reference and input builder live on the scoring server;
editing this copy changes nothing except your own understanding.
"""

import jax, jax.numpy as jnp
import numpy as np

B, C, N, K = 2, 256, 2048, 16
G = 4
LC, NLC = 192, 64  # l_channels, nl_channels (nl_ratio=0.25 of out_channels=256)


def setup_inputs(seed: int = 0) -> dict:
    key = jax.random.key(seed)
    ks = jax.random.split(key, 9)
    x = jax.random.normal(ks[0], (B, C, N, K), dtype=jnp.float32)
    abs_x = jax.random.normal(ks[1], (B, C // 2, N, 1), dtype=jnp.float32)
    idx = jax.random.randint(ks[2], (B, 1, N, K), 0, N, dtype=jnp.int32)
    Wq = jax.random.normal(ks[3], (LC, C), dtype=jnp.float32) * 0.05
    Wk = jax.random.normal(ks[4], (LC, C), dtype=jnp.float32) * 0.05
    Wv = jax.random.normal(ks[5], (LC, C), dtype=jnp.float32) * 0.05
    Wq_nl = jax.random.normal(ks[6], (NLC, C // 2), dtype=jnp.float32) * 0.05
    Wk_nl = jax.random.normal(ks[7], (NLC, C // 2), dtype=jnp.float32) * 0.05
    Wv_nl = jax.random.normal(ks[8], (NLC, C // 2), dtype=jnp.float32) * 0.05
    return {"x": x, "abs_x": abs_x, "idx": idx, "Wq": Wq, "Wk": Wk, "Wv": Wv,
            "Wq_nl": Wq_nl, "Wk_nl": Wk_nl, "Wv_nl": Wv_nl}


def _conv1x1(W, t):
    # t: [B, Cin, H, W2]; W: [Cout, Cin] -> [B, Cout, H, W2]
    return jnp.einsum('oc,bchw->bohw', W, t)


def reference(x, abs_x, idx, Wq, Wk, Wv, Wq_nl, Wk_nl, Wv_nl):
    batch, channels, npoints, neighbors = x.shape
    # 1. Local operation
    q_out = _conv1x1(Wq, x).reshape(batch, G, LC // G, npoints, neighbors)
    k_out = _conv1x1(Wk, x).reshape(batch, G, LC // G, npoints, neighbors)
    v_out = _conv1x1(Wv, x).reshape(batch, G, LC // G, npoints, neighbors)
    out = (q_out * k_out).sum(axis=2)              # [B,G,N,K]
    out = jax.nn.softmax(out, axis=-1)
    # 1.6 scatter attention scores into dense [B,G,N,N] then column-sum + topk
    idx_rep = jnp.broadcast_to(idx, (batch, G, npoints, neighbors))
    bi = jnp.arange(batch)[:, None, None, None]
    gi = jnp.arange(G)[None, :, None, None]
    ni = jnp.arange(npoints)[None, None, :, None]
    dense = jnp.zeros((batch, G, npoints, npoints), x.dtype).at[bi, gi, ni, idx_rep].set(out)
    score = dense.sum(axis=2, keepdims=True)       # [B,G,1,N]
    val_score, idx_score = jax.lax.top_k(score, neighbors)  # [B,G,1,K]
    # 1.7 scale V
    out_l = (out[:, :, None, :, :] * v_out).sum(axis=-1)    # [B,G,LC//G,N]
    out_l = out_l.reshape(batch, LC, npoints, 1)
    # 2. Non-local MHA over selected nodes
    q_nl = _conv1x1(Wq_nl, abs_x).reshape(batch, G, NLC // G, npoints)
    k_nl = _conv1x1(Wk_nl, abs_x).reshape(batch, G, NLC // G, npoints)
    v_nl = _conv1x1(Wv_nl, abs_x).reshape(batch, G, NLC // G, npoints)
    idx2 = jnp.broadcast_to(idx_score, (batch, G, NLC // G, neighbors))
    val2 = jnp.broadcast_to(val_score, (batch, G, NLC // G, neighbors))
    k_g = jnp.take_along_axis(k_nl, idx2, axis=3)           # [B,G,c,K]
    v_g = jnp.take_along_axis(v_nl, idx2, axis=3)
    v_g = v_g * jnp.tanh(val2)
    out_all = jnp.matmul(jnp.swapaxes(q_nl, 2, 3), k_g)     # [B,G,N,K]
    out_all = jax.nn.softmax(out_all, axis=-1)
    out_all = jnp.matmul(out_all, jnp.swapaxes(v_g, 2, 3))  # [B,G,N,c]
    out_all = jnp.transpose(out_all, (0, 1, 3, 2)).reshape(batch, NLC, npoints, 1)
    # 3. Concat (layer > 0)
    return jnp.concatenate([out_l, out_all], axis=1)        # [B,256,N,1]

if __name__ == "__main__":
    import jax
    _d = setup_inputs()
    print(jax.jit(kernel)(*tuple(_d.values())))

</pallas_src>

<mosaic_0001>
#map = affine_map<(d0, d1) -> (0, 0)>
module attributes {stable_mosaic.version = 14 : i64} {
  func.func @_sc_body(%arg0: i32, %arg1: i32, %arg2: memref<8x32768xf32, #tpu.memory_space<hbm>>, %arg3: memref<2x32768xi32, #tpu.memory_space<hbm>>, %arg4: memref<8x32768xi32, #tpu.memory_space<hbm>>, %arg5: memref<8x32768xi32, #tpu.memory_space<hbm>>, %arg6: memref<8x16xf32, #tpu.memory_space<hbm>>, %arg7: memref<8x16xi32, #tpu.memory_space<hbm>>, %arg8: memref<8x2048xf32, #tpu.memory_space<hbm>>, %arg9: memref<8192xi32, #tpu.memory_space<vmem>>, %arg10: memref<8192xf32, #tpu.memory_space<vmem>>, %arg11: memref<8192xi32, #tpu.memory_space<vmem>>, %arg12: memref<8192xi32, #tpu.memory_space<vmem>>, %arg13: memref<8192xi32, #tpu.memory_space<vmem>>, %arg14: memref<2048xf32, #tpu.memory_space<vmem>>, %arg15: memref<4x2048xf32, #tpu.memory_space<vmem>>, %arg16: memref<16xf32, #tpu.memory_space<vmem>>, %arg17: memref<16xi32, #tpu.memory_space<vmem>>, %arg18: memref<2048xf32, #tpu.memory_space<vmem>>, %arg19: memref<16x2048xf32, #tpu.memory_space<vmem_shared>>) attributes {dimension_semantics = [#tpu.dimension_semantics<core_parallel>, #tpu.dimension_semantics<subcore_parallel>], iteration_bounds = array<i64: 2, 16>, scalar_prefetch = 0 : i64, scratch_operands = 11 : i64, tpu.core_type = #tpu.core_type<sc_vector_subcore>, window_params = [{transform_indices = #map}, {transform_indices = #map}, {transform_indices = #map}, {transform_indices = #map}, {transform_indices = #map}, {transform_indices = #map}, {transform_indices = #map}]} {
    %mul3A = arith.constant 4 : i32
    %mul3A_0 = arith.muli %arg0, %mul3A : i32
    %jit3A = arith.constant 4 : i32
    %div3A = arith.divsi %arg1, %jit3A : i32
    %sign3A = arith.constant 0 : i32
    %sign3A_1 = arith.cmpi sgt, %arg1, %sign3A : i32
    %sign3A_2 = arith.extui %sign3A_1 : i1 to i32
    %sign3A_3 = arith.constant 0 : i32
    %sign3A_4 = arith.cmpi slt, %arg1, %sign3A_3 : i32
    %sign3A_5 = arith.extui %sign3A_4 : i1 to i32
    %sign3A_6 = arith.subi %sign3A_2, %sign3A_5 : i32
    %sign3A_7 = arith.constant 0 : i32
    %sign3A_8 = arith.cmpi sgt, %jit3A, %sign3A_7 : i32
    %sign3A_9 = arith.extui %sign3A_8 : i1 to i32
    %sign3A_10 = arith.constant 0 : i32
    %sign3A_11 = arith.cmpi slt, %jit3A, %sign3A_10 : i32
    %sign3A_12 = arith.extui %sign3A_11 : i1 to i32
    %sign3A_13 = arith.subi %sign3A_9, %sign3A_12 : i32
    %ne3A = arith.cmpi ne, %sign3A_6, %sign3A_13 : i32
    %rem3A = arith.remsi %arg1, %jit3A : i32
    %ne3A_14 = arith.constant 0 : i32
    %ne3A_15 = arith.cmpi ne, %rem3A, %ne3A_14 : i32
    %and3A = arith.andi %ne3A, %ne3A_15 : i1
    %sub3A = arith.constant 1 : i32
    %sub3A_16 = arith.subi %div3A, %sub3A : i32
    %select_n3A = arith.select %and3A, %sub3A_16, %div3A : i32
    %add3A = arith.addi %mul3A_0, %select_n3A : i32
    %jit3A_17 = arith.constant 4 : i32
    %eq3A = arith.constant 0 : i32
    %eq3A_18 = arith.cmpi eq, %jit3A_17, %eq3A : i32
    %jit3A_19 = arith.constant 1 : i32
    %select_n3A_20 = arith.select %eq3A_18, %jit3A_19, %jit3A_17 : i32
    %rem3A_21 = arith.remsi %arg1, %select_n3A_20 : i32
    %ne3A_22 = arith.constant 0 : i32
    %ne3A_23 = arith.cmpi ne, %rem3A_21, %ne3A_22 : i32
    %lt3A = arith.constant 0 : i32
    %lt3A_24 = arith.cmpi slt, %rem3A_21, %lt3A : i32
    %lt3A_25 = arith.constant 0 : i32
    %lt3A_26 = arith.cmpi slt, %select_n3A_20, %lt3A_25 : i32
    %ne3A_27 = arith.xori %lt3A_24, %lt3A_26 : i1
    %and3A_28 = arith.andi %ne3A_27, %ne3A_23 : i1
    %add3A_29 = arith.addi %rem3A_21, %select_n3A_20 : i32
    %select_n3A_30 = arith.select %and3A_28, %add3A_29, %rem3A_21 : i32
    %jit3A_31 = arith.constant 4 : i32
    %div3A_32 = arith.divsi %add3A, %jit3A_31 : i32
    %sign3A_33 = arith.constant 0 : i32
    %sign3A_34 = arith.cmpi sgt, %add3A, %sign3A_33 : i32
    %sign3A_35 = arith.extui %sign3A_34 : i1 to i32
    %sign3A_36 = arith.constant 0 : i32
    %sign3A_37 = arith.cmpi slt, %add3A, %sign3A_36 : i32
    %sign3A_38 = arith.extui %sign3A_37 : i1 to i32
    %sign3A_39 = arith.subi %sign3A_35, %sign3A_38 : i32
    %sign3A_40 = arith.constant 0 : i32
    %sign3A_41 = arith.cmpi sgt, %jit3A_31, %sign3A_40 : i32
    %sign3A_42 = arith.extui %sign3A_41 : i1 to i32
    %sign3A_43 = arith.constant 0 : i32
    %sign3A_44 = arith.cmpi slt, %jit3A_31, %sign3A_43 : i32
    %sign3A_45 = arith.extui %sign3A_44 : i1 to i32
    %sign3A_46 = arith.subi %sign3A_42, %sign3A_45 : i32
    %ne3A_47 = arith.cmpi ne, %sign3A_39, %sign3A_46 : i32
    %rem3A_48 = arith.remsi %add3A, %jit3A_31 : i32
    %ne3A_49 = arith.constant 0 : i32
    %ne3A_50 = arith.cmpi ne, %rem3A_48, %ne3A_49 : i32
    %and3A_51 = arith.andi %ne3A_47, %ne3A_50 : i1
    %sub3A_52 = arith.constant 1 : i32
    %sub3A_53 = arith.subi %div3A_32, %sub3A_52 : i32
    %select_n3A_54 = arith.select %and3A_51, %sub3A_53, %div3A_32 : i32
    %mul3A_55 = arith.constant 8192 : i32
    %mul3A_56 = arith.muli %select_n3A_30, %mul3A_55 : i32
    "tpu.region"() ({
      %run_scoped3A = tpu.sem_alloc : memref<!tpu.dma_semaphore, #tpu.memory_space<semaphore_mem>>
      %dma_start3A = tpu.memref_slice %arg2[%add3A, %mul3A_56] : memref<8x32768xf32, #tpu.memory_space<hbm>> -> memref<1x8192xf32, #tpu.memory_space<hbm>>
      %dma_start3A_80 = tpu.memref_squeeze %dma_start3A : memref<1x8192xf32, #tpu.memory_space<hbm>> -> memref<8192xf32, #tpu.memory_space<hbm>>
      %dma_start3A_81 = tpu.memref_slice %arg2[%add3A, %mul3A_56] : memref<8x32768xf32, #tpu.memory_space<hbm>> -> memref<1x8192xf32, #tpu.memory_space<hbm>>
      %dma_start3A_82 = tpu.memref_squeeze %dma_start3A_81 : memref<1x8192xf32, #tpu.memory_space<hbm>> -> memref<8192xf32, #tpu.memory_space<hbm>>
      tpu.enqueue_dma source(%dma_start3A_82 : memref<8192xf32, #tpu.memory_space<hbm>>) target(%arg10 : memref<8192xf32, #tpu.memory_space<vmem>>) target_semaphore(%run_scoped3A : memref<!tpu.dma_semaphore, #tpu.memory_space<semaphore_mem>>)
      %dma_wait3A = tpu.memref_slice %arg2[%add3A, %mul3A_56] : memref<8x32768xf32, #tpu.memory_space<hbm>> -> memref<1x8192xf32, #tpu.memory_space<hbm>>
      %dma_wait3A_83 = tpu.memref_squeeze %dma_wait3A : memref<1x8192xf32, #tpu.memory_space<hbm>> -> memref<8192xf32, #tpu.memory_space<hbm>>
      %dma_wait3A_84 = tpu.memref_slice %arg2[%add3A, %mul3A_56] : memref<8x32768xf32, #tpu.memory_space<hbm>> -> memref<1x8192xf32, #tpu.memory_space<hbm>>
      %dma_wait3A_85 = tpu.memref_squeeze %dma_wait3A_84 : memref<1x8192xf32, #tpu.memory_space<hbm>> -> memref<8192xf32, #tpu.memory_space<hbm>>
      tpu.wait_dma2 semaphore(%run_scoped3A : memref<!tpu.dma_semaphore, #tpu.memory_space<semaphore_mem>>) src(%dma_wait3A_85 : memref<8192xf32, #tpu.memory_space<hbm>>) dst(%arg10 : memref<8192xf32, #tpu.memory_space<vmem>>)
      tpu.yield
    }) : () -> ()
    "tpu.region"() ({
      %run_scoped3A = tpu.sem_alloc : memref<!tpu.dma_semaphore, #tpu.memory_space<semaphore_mem>>
      %dma_start3A = tpu.memref_slice %arg3[%select_n3A_54, %mul3A_56] : memref<2x32768xi32, #tpu.memory_space<hbm>> -> memref<1x8192xi32, #tpu.memory_space<hbm>>
      %dma_start3A_80 = tpu.memref_squeeze %dma_start3A : memref<1x8192xi32, #tpu.memory_space<hbm>> -> memref<8192xi32, #tpu.memory_space<hbm>>
      %dma_start3A_81 = tpu.memref_slice %arg3[%select_n3A_54, %mul3A_56] : memref<2x32768xi32, #tpu.memory_space<hbm>> -> memref<1x8192xi32, #tpu.memory_space<hbm>>
      %dma_start3A_82 = tpu.memref_squeeze %dma_start3A_81 : memref<1x8192xi32, #tpu.memory_space<hbm>> -> memref<8192xi32, #tpu.memory_space<hbm>>
      tpu.enqueue_dma source(%dma_start3A_82 : memref<8192xi32, #tpu.memory_space<hbm>>) target(%arg9 : memref<8192xi32, #tpu.memory_space<vmem>>) target_semaphore(%run_scoped3A : memref<!tpu.dma_semaphore, #tpu.memory_space<semaphore_mem>>)
      %dma_wait3A = tpu.memref_slice %arg3[%select_n3A_54, %mul3A_56] : memref<2x32768xi32, #tpu.memory_space<hbm>> -> memref<1x8192xi32, #tpu.memory_space<hbm>>
      %dma_wait3A_83 = tpu.memref_squeeze %dma_wait3A : memref<1x8192xi32, #tpu.memory_space<hbm>> -> memref<8192xi32, #tpu.memory_space<hbm>>
      %dma_wait3A_84 = tpu.memref_slice %arg3[%select_n3A_54, %mul3A_56] : memref<2x32768xi32, #tpu.memory_space<hbm>> -> memref<1x8192xi32, #tpu.memory_space<hbm>>
      %dma_wait3A_85 = tpu.memref_squeeze %dma_wait3A_84 : memref<1x8192xi32, #tpu.memory_space<hbm>> -> memref<8192xi32, #tpu.memory_space<hbm>>
      tpu.wait_dma2 semaphore(%run_scoped3A : memref<!tpu.dma_semaphore, #tpu.memory_space<semaphore_mem>>) src(%dma_wait3A_85 : memref<8192xi32, #tpu.memory_space<hbm>>) dst(%arg9 : memref<8192xi32, #tpu.memory_space<vmem>>)
      tpu.yield
    }) : () -> ()
    "tpu.region"() ({
      %run_scoped3A = tpu.sem_alloc : memref<!tpu.dma_semaphore, #tpu.memory_space<semaphore_mem>>
      %dma_start3A = tpu.memref_slice %arg4[%add3A, %mul3A_56] : memref<8x32768xi32, #tpu.memory_space<hbm>> -> memref<1x8192xi32, #tpu.memory_space<hbm>>
      %dma_start3A_80 = tpu.memref_squeeze %dma_start3A : memref<1x8192xi32, #tpu.memory_space<hbm>> -> memref<8192xi32, #tpu.memory_space<hbm>>
      %dma_start3A_81 = tpu.memref_slice %arg4[%add3A, %mul3A_56] : memref<8x32768xi32, #tpu.memory_space<hbm>> -> memref<1x8192xi32, #tpu.memory_space<hbm>>
      %dma_start3A_82 = tpu.memref_squeeze %dma_start3A_81 : memref<1x8192xi32, #tpu.memory_space<hbm>> -> memref<8192xi32, #tpu.memory_space<hbm>>
      tpu.enqueue_dma source(%dma_start3A_82 : memref<8192xi32, #tpu.memory_space<hbm>>) target(%arg11 : memref<8192xi32, #tpu.memory_space<vmem>>) target_semaphore(%run_scoped3A : memref<!tpu.dma_semaphore, #tpu.memory_space<semaphore_mem>>)
      %dma_wait3A = tpu.memref_slice %arg4[%add3A, %mul3A_56] : memref<8x32768xi32, #tpu.memory_space<hbm>> -> memref<1x8192xi32, #tpu.memory_space<hbm>>
      %dma_wait3A_83 = tpu.memref_squeeze %dma_wait3A : memref<1x8192xi32, #tpu.memory_space<hbm>> -> memref<8192xi32, #tpu.memory_space<hbm>>
      %dma_wait3A_84 = tpu.memref_slice %arg4[%add3A, %mul3A_56] : memref<8x32768xi32, #tpu.memory_space<hbm>> -> memref<1x8192xi32, #tpu.memory_space<hbm>>
      %dma_wait3A_85 = tpu.memref_squeeze %dma_wait3A_84 : memref<1x8192xi32, #tpu.memory_space<hbm>> -> memref<8192xi32, #tpu.memory_space<hbm>>
      tpu.wait_dma2 semaphore(%run_scoped3A : memref<!tpu.dma_semaphore, #tpu.memory_space<semaphore_mem>>) src(%dma_wait3A_85 : memref<8192xi32, #tpu.memory_space<hbm>>) dst(%arg11 : memref<8192xi32, #tpu.memory_space<vmem>>)
      tpu.yield
    }) : () -> ()
    "tpu.region"() ({
      %run_scoped3A = tpu.sem_alloc : memref<!tpu.dma_semaphore, #tpu.memory_space<semaphore_mem>>
      %dma_start3A = tpu.memref_slice %arg5[%add3A, %mul3A_56] : memref<8x32768xi32, #tpu.memory_space<hbm>> -> memref<1x8192xi32, #tpu.memory_space<hbm>>
      %dma_start3A_80 = tpu.memref_squeeze %dma_start3A : memref<1x8192xi32, #tpu.memory_space<hbm>> -> memref<8192xi32, #tpu.memory_space<hbm>>
      %dma_start3A_81 = tpu.memref_slice %arg5[%add3A, %mul3A_56] : memref<8x32768xi32, #tpu.memory_space<hbm>> -> memref<1x8192xi32, #tpu.memory_space<hbm>>
      %dma_start3A_82 = tpu.memref_squeeze %dma_start3A_81 : memref<1x8192xi32, #tpu.memory_space<hbm>> -> memref<8192xi32, #tpu.memory_space<hbm>>
      tpu.enqueue_dma source(%dma_start3A_82 : memref<8192xi32, #tpu.memory_space<hbm>>) target(%arg12 : memref<8192xi32, #tpu.memory_space<vmem>>) target_semaphore(%run_scoped3A : memref<!tpu.dma_semaphore, #tpu.memory_space<semaphore_mem>>)
      %dma_wait3A = tpu.memref_slice %arg5[%add3A, %mul3A_56] : memref<8x32768xi32, #tpu.memory_space<hbm>> -> memref<1x8192xi32, #tpu.memory_space<hbm>>
      %dma_wait3A_83 = tpu.memref_squeeze %dma_wait3A : memref<1x8192xi32, #tpu.memory_space<hbm>> -> memref<8192xi32, #tpu.memory_space<hbm>>
      %dma_wait3A_84 = tpu.memref_slice %arg5[%add3A, %mul3A_56] : memref<8x32768xi32, #tpu.memory_space<hbm>> -> memref<1x8192xi32, #tpu.memory_space<hbm>>
      %dma_wait3A_85 = tpu.memref_squeeze %dma_wait3A_84 : memref<1x8192xi32, #tpu.memory_space<hbm>> -> memref<8192xi32, #tpu.memory_space<hbm>>
      tpu.wait_dma2 semaphore(%run_scoped3A : memref<!tpu.dma_semaphore, #tpu.memory_space<semaphore_mem>>) src(%dma_wait3A_85 : memref<8192xi32, #tpu.memory_space<hbm>>) dst(%arg12 : memref<8192xi32, #tpu.memory_space<vmem>>)
      tpu.yield
    }) : () -> ()
    %scan3A = arith.constant 0 : i32
    %scan3A_57 = arith.constant 0 : i32
    %scan3A_58 = arith.constant 128 : i32
    %scan3A_59 = arith.addi %scan3A_57, %scan3A_58 : i32
    %scan3A_60 = arith.constant 1 : i32
    scf.for %scan3A_80 = %scan3A_57 to %scan3A_59 step %scan3A_60  : i32 {
      %broadcast_in_dim3A = arith.constant 0.000000e+00 : f32
      %broadcast_in_dim3A_81 = vector.broadcast %broadcast_in_dim3A : f32 to vector<16xf32>
      %mul3A_82 = arith.constant 16 : i32
      %mul3A_83 = arith.muli %scan3A_80, %mul3A_82 : i32
      %swap3A = arith.index_cast %mul3A_83 : i32 to index
      %swap3A_84 = tpu.vector_load %arg14[%swap3A] {strides = array<i32>} : memref<2048xf32, #tpu.memory_space<vmem>>, vector<16xf32>,
      tpu.vector_store %arg14[%swap3A], %broadcast_in_dim3A_81 {strides = array<i32>} : memref<2048xf32, #tpu.memory_space<vmem>>, vector<16xf32>,
    }
    %scan3A_61 = arith.constant 128 : i32
    %mul3A_62 = arith.constant 32768 : i32
    %mul3A_63 = arith.muli %add3A, %mul3A_62 : i32
    %add3A_64 = arith.addi %mul3A_63, %mul3A_56 : i32
    %scan3A_65 = arith.constant 0 : i32
    %scan3A_66 = arith.constant 0 : i32
    %scan3A_67 = arith.constant 512 : i32
    %scan3A_68 = arith.addi %scan3A_66, %scan3A_67 : i32
    %scan3A_69 = arith.constant 1 : i32
    scf.for %scan3A_80 = %scan3A_66 to %scan3A_68 step %scan3A_69  : i32 {
      %mul3A_81 = arith.constant 16 : i32
      %mul3A_82 = arith.muli %scan3A_80, %mul3A_81 : i32
      %get3A = arith.index_cast %mul3A_82 : i32 to index
      %get3A_83 = tpu.vector_load %arg11[%get3A] {strides = array<i32>} : memref<8192xi32, #tpu.memory_space<vmem>>, vector<16xi32>,
      %sub3A_84 = vector.broadcast %add3A_64 : i32 to vector<16xi32>
      %sub3A_85 = arith.subi %get3A_83, %sub3A_84 : vector<16xi32>
      %get3A_86 = arith.index_cast %mul3A_82 : i32 to index
      %get3A_87 = tpu.vector_load %arg12[%get3A_86] {strides = array<i32>} : memref<8192xi32, #tpu.memory_space<vmem>>, vector<16xi32>,
      tpu.vector_store_idx %arg13[%sub3A_85], %get3A_87 : memref<8192xi32, #tpu.memory_space<vmem>>[vector<16xi32>], vector<16xi32>,
    }
    %scan3A_70 = arith.constant 512 : i32
    %scan3A_71 = arith.constant 0 : i32
    %scan3A_72 = arith.constant 0 : i32
    %scan3A_73 = arith.constant 512 : i32
    %scan3A_74 = arith.addi %scan3A_72, %scan3A_73 : i32
    %scan3A_75 = arith.constant 1 : i32
    scf.for %scan3A_80 = %scan3A_72 to %scan3A_74 step %scan3A_75  : i32 {
      %mul3A_81 = arith.constant 16 : i32
      %mul3A_82 = arith.muli %scan3A_80, %mul3A_81 : i32
      %get3A = arith.index_cast %mul3A_82 : i32 to index
      %get3A_83 = tpu.vector_load %arg9[%get3A] {strides = array<i32>} : memref<8192xi32, #tpu.memory_space<vmem>>, vector<16xi32>,
      %get3A_84 = arith.index_cast %mul3A_82 : i32 to index
      %get3A_85 = tpu.vector_load %arg10[%get3A_84] {strides = array<i32>} : memref<8192xf32, #tpu.memory_space<vmem>>, vector<16xf32>,
      %get3A_86 = arith.index_cast %mul3A_82 : i32 to index
      %get3A_87 = tpu.vector_load %arg13[%get3A_86] {strides = array<i32>} : memref<8192xi32, #tpu.memory_space<vmem>>, vector<16xi32>,
      %ne3A_88 = arith.constant 0 : i32
      %ne3A_89 = vector.broadcast %ne3A_88 : i32 to vector<16xi32>
      %ne3A_90 = arith.cmpi ne, %get3A_87, %ne3A_89 : vector<16xi32>
      tpu.vector_store_idx %arg14[%get3A_83], %get3A_85 masked %ne3A_90 {add = true} : memref<2048xf32, #tpu.memory_space<vmem>>[vector<16xi32>], vector<16xf32>, vector<16xi1>
    }
    %scan3A_76 = arith.constant 512 : i32
    "tpu.region"() ({
      %run_scoped3A = tpu.sem_alloc : memref<!tpu.dma_semaphore, #tpu.memory_space<semaphore_mem>>
      %dma_start3A = arith.constant 0 : i32
      %dma_start3A_80 = tpu.memref_slice %arg19[%arg1, %dma_start3A] : memref<16x2048xf32, #tpu.memory_space<vmem_shared>> -> memref<1x2048xf32, #tpu.memory_space<vmem_shared>>
      %dma_start3A_81 = tpu.memref_squeeze %dma_start3A_80 : memref<1x2048xf32, #tpu.memory_space<vmem_shared>> -> memref<2048xf32, #tpu.memory_space<vmem_shared>>
      %dma_start3A_82 = arith.constant 0 : i32
      %dma_start3A_83 = tpu.memref_slice %arg19[%arg1, %dma_start3A_82] : memref<16x2048xf32, #tpu.memory_space<vmem_shared>> -> memref<1x2048xf32, #tpu.memory_space<vmem_shared>>
      %dma_start3A_84 = tpu.memref_squeeze %dma_start3A_83 : memref<1x2048xf32, #tpu.memory_space<vmem_shared>> -> memref<2048xf32, #tpu.memory_space<vmem_shared>>
      tpu.enqueue_dma source(%arg14 : memref<2048xf32, #tpu.memory_space<vmem>>) target(%dma_start3A_84 : memref<2048xf32, #tpu.memory_space<vmem_shared>>) target_semaphore(%run_scoped3A : memref<!tpu.dma_semaphore, #tpu.memory_space<semaphore_mem>>)
      %dma_wait3A = arith.constant 0 : i32
      %dma_wait3A_85 = tpu.memref_slice %arg19[%arg1, %dma_wait3A] : memref<16x2048xf32, #tpu.memory_space<vmem_shared>> -> memref<1x2048xf32, #tpu.memory_space<vmem_shared>>
      %dma_wait3A_86 = tpu.memref_squeeze %dma_wait3A_85 : memref<1x2048xf32, #tpu.memory_space<vmem_shared>> -> memref<2048xf32, #tpu.memory_space<vmem_shared>>
      %dma_wait3A_87 = arith.constant 0 : i32
      %dma_wait3A_88 = tpu.memref_slice %arg19[%arg1, %dma_wait3A_87] : memref<16x2048xf32, #tpu.memory_space<vmem_shared>> -> memref<1x2048xf32, #tpu.memory_space<vmem_shared>>
      %dma_wait3A_89 = tpu.memref_squeeze %dma_wait3A_88 : memref<1x2048xf32, #tpu.memory_space<vmem_shared>> -> memref<2048xf32, #tpu.memory_space<vmem_shared>>
      tpu.wait_dma2 semaphore(%run_scoped3A : memref<!tpu.dma_semaphore, #tpu.memory_space<semaphore_mem>>) src(%arg14 : memref<2048xf32, #tpu.memory_space<vmem>>) dst(%dma_wait3A_89 : memref<2048xf32, #tpu.memory_space<vmem_shared>>)
      tpu.yield
    }) : () -> ()
    %barrier3A = arith.constant 0 : index
    tpu.barrier barrier_id(%barrier3A)
    %eq3A_77 = arith.constant 0 : i32
    %eq3A_78 = arith.cmpi eq, %select_n3A_30, %eq3A_77 : i32
    %convert_element_type3A = arith.extui %eq3A_78 : i1 to i32
    %cond3A = arith.constant 0 : i32
    %cond3A_79 = arith.cmpi ne, %convert_element_type3A, %cond3A : i32
    scf.if %cond3A_79 {
      %add3A_80 = arith.constant 0 : i32
      %add3A_81 = arith.addi %arg1, %add3A_80 : i32
      %run_scoped3A = arith.constant 0 : i32
      "tpu.region"() ({
        %run_scoped3A_103 = tpu.sem_alloc : memref<!tpu.dma_semaphore, #tpu.memory_space<semaphore_mem>>
        %dma_start3A = arith.constant 0 : i32
        %dma_start3A_104 = tpu.memref_slice %arg15[%run_scoped3A, %dma_start3A] : memref<4x2048xf32, #tpu.memory_space<vmem>> -> memref<1x2048xf32, #tpu.memory_space<vmem>>
        %dma_start3A_105 = tpu.memref_squeeze %dma_start3A_104 : memref<1x2048xf32, #tpu.memory_space<vmem>> -> memref<2048xf32, #tpu.memory_space<vmem>>
        %dma_start3A_106 = arith.constant 0 : i32
        %dma_start3A_107 = tpu.memref_slice %arg19[%add3A_81, %dma_start3A_106] : memref<16x2048xf32, #tpu.memory_space<vmem_shared>> -> memref<1x2048xf32, #tpu.memory_space<vmem_shared>>
        %dma_start3A_108 = tpu.memref_squeeze %dma_start3A_107 : memref<1x2048xf32, #tpu.memory_space<vmem_shared>> -> memref<2048xf32, #tpu.memory_space<vmem_shared>>
        %dma_start3A_109 = arith.constant 0 : i32
        %dma_start3A_110 = tpu.memref_slice %arg15[%run_scoped3A, %dma_start3A_109] : memref<4x2048xf32, #tpu.memory_space<vmem>> -> memref<1x2048xf32, #tpu.memory_space<vmem>>
        %dma_start3A_111 = tpu.memref_squeeze %dma_start3A_110 : memref<1x2048xf32, #tpu.memory_space<vmem>> -> memref<2048xf32, #tpu.memory_space<vmem>>
        %dma_start3A_112 = arith.constant 0 : i32
        %dma_start3A_113 = tpu.memref_slice %arg19[%add3A_81, %dma_start3A_112] : memref<16x2048xf32, #tpu.memory_space<vmem_shared>> -> memref<1x2048xf32, #tpu.memory_space<vmem_shared>>
        %dma_start3A_114 = tpu.memref_squeeze %dma_start3A_113 : memref<1x2048xf32, #tpu.memory_space<vmem_shared>> -> memref<2048xf32, #tpu.memory_space<vmem_shared>>
        tpu.enqueue_dma source(%dma_start3A_114 : memref<2048xf32, #tpu.memory_space<vmem_shared>>) target(%dma_start3A_111 : memref<2048xf32, #tpu.memory_space<vmem>>) target_semaphore(%run_scoped3A_103 : memref<!tpu.dma_semaphore, #tpu.memory_space<semaphore_mem>>)
        %dma_wait3A = arith.constant 0 : i32
        %dma_wait3A_115 = tpu.memref_slice %arg15[%run_scoped3A, %dma_wait3A] : memref<4x2048xf32, #tpu.memory_space<vmem>> -> memref<1x2048xf32, #tpu.memory_space<vmem>>
        %dma_wait3A_116 = tpu.memref_squeeze %dma_wait3A_115 : memref<1x2048xf32, #tpu.memory_space<vmem>> -> memref<2048xf32, #tpu.memory_space<vmem>>
        %dma_wait3A_117 = arith.constant 0 : i32
        %dma_wait3A_118 = tpu.memref_slice %arg19[%add3A_81, %dma_wait3A_117] : memref<16x2048xf32, #tpu.memory_space<vmem_shared>> -> memref<1x2048xf32, #tpu.memory_space<vmem_shared>>
        %dma_wait3A_119 = tpu.memref_squeeze %dma_wait3A_118 : memref<1x2048xf32, #tpu.memory_space<vmem_shared>> -> memref<2048xf32, #tpu.memory_space<vmem_shared>>
        %dma_wait3A_120 = arith.constant 0 : i32
        %dma_wait3A_121 = tpu.memref_slice %arg15[%run_scoped3A, %dma_wait3A_120] : memref<4x2048xf32, #tpu.memory_space<vmem>> -> memref<1x2048xf32, #tpu.memory_space<vmem>>
        %dma_wait3A_122 = tpu.memref_squeeze %dma_wait3A_121 : memref<1x2048xf32, #tpu.memory_space<vmem>> -> memref<2048xf32, #tpu.memory_space<vmem>>
        %dma_wait3A_123 = arith.constant 0 : i32
        %dma_wait3A_124 = tpu.memref_slice %arg19[%add3A_81, %dma_wait3A_123] : memref<16x2048xf32, #tpu.memory_space<vmem_shared>> -> memref<1x2048xf32, #tpu.memory_space<vmem_shared>>
        %dma_wait3A_125 = tpu.memref_squeeze %dma_wait3A_124 : memref<1x2048xf32, #tpu.memory_space<vmem_shared>> -> memref<2048xf32, #tpu.memory_space<vmem_shared>>
        tpu.wait_dma2 semaphore(%run_scoped3A_103 : memref<!tpu.dma_semaphore, #tpu.memory_space<semaphore_mem>>) src(%dma_wait3A_125 : memref<2048xf32, #tpu.memory_space<vmem_shared>>) dst(%dma_wait3A_122 : memref<2048xf32, #tpu.memory_space<vmem>>)
        tpu.yield
      }) : () -> ()
      %add3A_82 = arith.constant 1 : i32
      %add3A_83 = arith.addi %arg1, %add3A_82 : i32
      %run_scoped3A_84 = arith.constant 1 : i32
      "tpu.region"() ({
        %run_scoped3A_103 = tpu.sem_alloc : memref<!tpu.dma_semaphore, #tpu.memory_space<semaphore_mem>>
        %dma_start3A = arith.constant 0 : i32
        %dma_start3A_104 = tpu.memref_slice %arg15[%run_scoped3A_84, %dma_start3A] : memref<4x2048xf32, #tpu.memory_space<vmem>> -> memref<1x2048xf32, #tpu.memory_space<vmem>>
        %dma_start3A_105 = tpu.memref_squeeze %dma_start3A_104 : memref<1x2048xf32, #tpu.memory_space<vmem>> -> memref<2048xf32, #tpu.memory_space<vmem>>
        %dma_start3A_106 = arith.constant 0 : i32
        %dma_start3A_107 = tpu.memref_slice %arg19[%add3A_83, %dma_start3A_106] : memref<16x2048xf32, #tpu.memory_space<vmem_shared>> -> memref<1x2048xf32, #tpu.memory_space<vmem_shared>>
        %dma_start3A_108 = tpu.memref_squeeze %dma_start3A_107 : memref<1x2048xf32, #tpu.memory_space<vmem_shared>> -> memref<2048xf32, #tpu.memory_space<vmem_shared>>
        %dma_start3A_109 = arith.constant 0 : i32
        %dma_start3A_110 = tpu.memref_slice %arg15[%run_scoped3A_84, %dma_start3A_109] : memref<4x2048xf32, #tpu.memory_space<vmem>> -> memref<1x2048xf32, #tpu.memory_space<vmem>>
        %dma_start3A_111 = tpu.memref_squeeze %dma_start3A_110 : memref<1x2048xf32, #tpu.memory_space<vmem>> -> memref<2048xf32, #tpu.memory_space<vmem>>
        %dma_start3A_112 = arith.constant 0 : i32
        %dma_start3A_113 = tpu.memref_slice %arg19[%add3A_83, %dma_start3A_112] : memref<16x2048xf32, #tpu.memory_space<vmem_shared>> -> memref<1x2048xf32, #tpu.memory_space<vmem_shared>>
        %dma_start3A_114 = tpu.memref_squeeze %dma_start3A_113 : memref<1x2048xf32, #tpu.memory_space<vmem_shared>> -> memref<2048xf32, #tpu.memory_space<vmem_shared>>
        tpu.enqueue_dma source(%dma_start3A_114 : memref<2048xf32, #tpu.memory_space<vmem_shared>>) target(%dma_start3A_111 : memref<2048xf32, #tpu.memory_space<vmem>>) target_semaphore(%run_scoped3A_103 : memref<!tpu.dma_semaphore, #tpu.memory_space<semaphore_mem>>)
        %dma_wait3A = arith.constant 0 : i32
        %dma_wait3A_115 = tpu.memref_slice %arg15[%run_scoped3A_84, %dma_wait3A] : memref<4x2048xf32, #tpu.memory_space<vmem>> -> memref<1x2048xf32, #tpu.memory_space<vmem>>
        %dma_wait3A_116 = tpu.memref_squeeze %dma_wait3A_115 : memref<1x2048xf32, #tpu.memory_space<vmem>> -> memref<2048xf32, #tpu.memory_space<vmem>>
        %dma_wait3A_117 = arith.constant 0 : i32
        %dma_wait3A_118 = tpu.memref_slice %arg19[%add3A_83, %dma_wait3A_117] : memref<16x2048xf32, #tpu.memory_space<vmem_shared>> -> memref<1x2048xf32, #tpu.memory_space<vmem_shared>>
        %dma_wait3A_119 = tpu.memref_squeeze %dma_wait3A_118 : memref<1x2048xf32, #tpu.memory_space<vmem_shared>> -> memref<2048xf32, #tpu.memory_space<vmem_shared>>
        %dma_wait3A_120 = arith.constant 0 : i32
        %dma_wait3A_121 = tpu.memref_slice %arg15[%run_scoped3A_84, %dma_wait3A_120] : memref<4x2048xf32, #tpu.memory_space<vmem>> -> memref<1x2048xf32, #tpu.memory_space<vmem>>
        %dma_wait3A_122 = tpu.memref_squeeze %dma_wait3A_121 : memref<1x2048xf32, #tpu.memory_space<vmem>> -> memref<2048xf32, #tpu.memory_space<vmem>>
        %dma_wait3A_123 = arith.constant 0 : i32
        %dma_wait3A_124 = tpu.memref_slice %arg19[%add3A_83, %dma_wait3A_123] : memref<16x2048xf32, #tpu.memory_space<vmem_shared>> -> memref<1x2048xf32, #tpu.memory_space<vmem_shared>>
        %dma_wait3A_125 = tpu.memref_squeeze %dma_wait3A_124 : memref<1x2048xf32, #tpu.memory_space<vmem_shared>> -> memref<2048xf32, #tpu.memory_space<vmem_shared>>
        tpu.wait_dma2 semaphore(%run_scoped3A_103 : memref<!tpu.dma_semaphore, #tpu.memory_space<semaphore_mem>>) src(%dma_wait3A_125 : memref<2048xf32, #tpu.memory_space<vmem_shared>>) dst(%dma_wait3A_122 : memref<2048xf32, #tpu.memory_space<vmem>>)
        tpu.yield
      }) : () -> ()
      %add3A_85 = arith.constant 2 : i32
      %add3A_86 = arith.addi %arg1, %add3A_85 : i32
      %run_scoped3A_87 = arith.constant 2 : i32
      "tpu.region"() ({
        %run_scoped3A_103 = tpu.sem_alloc : memref<!tpu.dma_semaphore, #tpu.memory_space<semaphore_mem>>
        %dma_start3A = arith.constant 0 : i32
        %dma_start3A_104 = tpu.memref_slice %arg15[%run_scoped3A_87, %dma_start3A] : memref<4x2048xf32, #tpu.memory_space<vmem>> -> memref<1x2048xf32, #tpu.memory_space<vmem>>
        %dma_start3A_105 = tpu.memref_squeeze %dma_start3A_104 : memref<1x2048xf32, #tpu.memory_space<vmem>> -> memref<2048xf32, #tpu.memory_space<vmem>>
        %dma_start3A_106 = arith.constant 0 : i32
        %dma_start3A_107 = tpu.memref_slice %arg19[%add3A_86, %dma_start3A_106] : memref<16x2048xf32, #tpu.memory_space<vmem_shared>> -> memref<1x2048xf32, #tpu.memory_space<vmem_shared>>
        %dma_start3A_108 = tpu.memref_squeeze %dma_start3A_107 : memref<1x2048xf32, #tpu.memory_space<vmem_shared>> -> memref<2048xf32, #tpu.memory_space<vmem_shared>>
        %dma_start3A_109 = arith.constant 0 : i32
        %dma_start3A_110 = tpu.memref_slice %arg15[%run_scoped3A_87, %dma_start3A_109] : memref<4x2048xf32, #tpu.memory_space<vmem>> -> memref<1x2048xf32, #tpu.memory_space<vmem>>
        %dma_start3A_111 = tpu.memref_squeeze %dma_start3A_110 : memref<1x2048xf32, #tpu.memory_space<vmem>> -> memref<2048xf32, #tpu.memory_space<vmem>>
        %dma_start3A_112 = arith.constant 0 : i32
        %dma_start3A_113 = tpu.memref_slice %arg19[%add3A_86, %dma_start3A_112] : memref<16x2048xf32, #tpu.memory_space<vmem_shared>> -> memref<1x2048xf32, #tpu.memory_space<vmem_shared>>
        %dma_start3A_114 = tpu.memref_squeeze %dma_start3A_113 : memref<1x2048xf32, #tpu.memory_space<vmem_shared>> -> memref<2048xf32, #tpu.memory_space<vmem_shared>>
        tpu.enqueue_dma source(%dma_start3A_114 : memref<2048xf32, #tpu.memory_space<vmem_shared>>) target(%dma_start3A_111 : memref<2048xf32, #tpu.memory_space<vmem>>) target_semaphore(%run_scoped3A_103 : memref<!tpu.dma_semaphore, #tpu.memory_space<semaphore_mem>>)
        %dma_wait3A = arith.constant 0 : i32
        %dma_wait3A_115 = tpu.memref_slice %arg15[%run_scoped3A_87, %dma_wait3A] : memref<4x2048xf32, #tpu.memory_space<vmem>> -> memref<1x2048xf32, #tpu.memory_space<vmem>>
        %dma_wait3A_116 = tpu.memref_squeeze %dma_wait3A_115 : memref<1x2048xf32, #tpu.memory_space<vmem>> -> memref<2048xf32, #tpu.memory_space<vmem>>
        %dma_wait3A_117 = arith.constant 0 : i32
        %dma_wait3A_118 = tpu.memref_slice %arg19[%add3A_86, %dma_wait3A_117] : memref<16x2048xf32, #tpu.memory_space<vmem_shared>> -> memref<1x2048xf32, #tpu.memory_space<vmem_shared>>
        %dma_wait3A_119 = tpu.memref_squeeze %dma_wait3A_118 : memref<1x2048xf32, #tpu.memory_space<vmem_shared>> -> memref<2048xf32, #tpu.memory_space<vmem_shared>>
        %dma_wait3A_120 = arith.constant 0 : i32
        %dma_wait3A_121 = tpu.memref_slice %arg15[%run_scoped3A_87, %dma_wait3A_120] : memref<4x2048xf32, #tpu.memory_space<vmem>> -> memref<1x2048xf32, #tpu.memory_space<vmem>>
        %dma_wait3A_122 = tpu.memref_squeeze %dma_wait3A_121 : memref<1x2048xf32, #tpu.memory_space<vmem>> -> memref<2048xf32, #tpu.memory_space<vmem>>
        %dma_wait3A_123 = arith.constant 0 : i32
        %dma_wait3A_124 = tpu.memref_slice %arg19[%add3A_86, %dma_wait3A_123] : memref<16x2048xf32, #tpu.memory_space<vmem_shared>> -> memref<1x2048xf32, #tpu.memory_space<vmem_shared>>
        %dma_wait3A_125 = tpu.memref_squeeze %dma_wait3A_124 : memref<1x2048xf32, #tpu.memory_space<vmem_shared>> -> memref<2048xf32, #tpu.memory_space<vmem_shared>>
        tpu.wait_dma2 semaphore(%run_scoped3A_103 : memref<!tpu.dma_semaphore, #tpu.memory_space<semaphore_mem>>) src(%dma_wait3A_125 : memref<2048xf32, #tpu.memory_space<vmem_shared>>) dst(%dma_wait3A_122 : memref<2048xf32, #tpu.memory_space<vmem>>)
        tpu.yield
      }) : () -> ()
      %add3A_88 = arith.constant 3 : i32
      %add3A_89 = arith.addi %arg1, %add3A_88 : i32
      %run_scoped3A_90 = arith.constant 3 : i32
      "tpu.region"() ({
        %run_scoped3A_103 = tpu.sem_alloc : memref<!tpu.dma_semaphore, #tpu.memory_space<semaphore_mem>>
        %dma_start3A = arith.constant 0 : i32
        %dma_start3A_104 = tpu.memref_slice %arg15[%run_scoped3A_90, %dma_start3A] : memref<4x2048xf32, #tpu.memory_space<vmem>> -> memref<1x2048xf32, #tpu.memory_space<vmem>>
        %dma_start3A_105 = tpu.memref_squeeze %dma_start3A_104 : memref<1x2048xf32, #tpu.memory_space<vmem>> -> memref<2048xf32, #tpu.memory_space<vmem>>
        %dma_start3A_106 = arith.constant 0 : i32
        %dma_start3A_107 = tpu.memref_slice %arg19[%add3A_89, %dma_start3A_106] : memref<16x2048xf32, #tpu.memory_space<vmem_shared>> -> memref<1x2048xf32, #tpu.memory_space<vmem_shared>>
        %dma_start3A_108 = tpu.memref_squeeze %dma_start3A_107 : memref<1x2048xf32, #tpu.memory_space<vmem_shared>> -> memref<2048xf32, #tpu.memory_space<vmem_shared>>
        %dma_start3A_109 = arith.constant 0 : i32
        %dma_start3A_110 = tpu.memref_slice %arg15[%run_scoped3A_90, %dma_start3A_109] : memref<4x2048xf32, #tpu.memory_space<vmem>> -> memref<1x2048xf32, #tpu.memory_space<vmem>>
        %dma_start3A_111 = tpu.memref_squeeze %dma_start3A_110 : memref<1x2048xf32, #tpu.memory_space<vmem>> -> memref<2048xf32, #tpu.memory_space<vmem>>
        %dma_start3A_112 = arith.constant 0 : i32
        %dma_start3A_113 = tpu.memref_slice %arg19[%add3A_89, %dma_start3A_112] : memref<16x2048xf32, #tpu.memory_space<vmem_shared>> -> memref<1x2048xf32, #tpu.memory_space<vmem_shared>>
        %dma_start3A_114 = tpu.memref_squeeze %dma_start3A_113 : memref<1x2048xf32, #tpu.memory_space<vmem_shared>> -> memref<2048xf32, #tpu.memory_space<vmem_shared>>
        tpu.enqueue_dma source(%dma_start3A_114 : memref<2048xf32, #tpu.memory_space<vmem_shared>>) target(%dma_start3A_111 : memref<2048xf32, #tpu.memory_space<vmem>>) target_semaphore(%run_scoped3A_103 : memref<!tpu.dma_semaphore, #tpu.memory_space<semaphore_mem>>)
        %dma_wait3A = arith.constant 0 : i32
        %dma_wait3A_115 = tpu.memref_slice %arg15[%run_scoped3A_90, %dma_wait3A] : memref<4x2048xf32, #tpu.memory_space<vmem>> -> memref<1x2048xf32, #tpu.memory_space<vmem>>
        %dma_wait3A_116 = tpu.memref_squeeze %dma_wait3A_115 : memref<1x2048xf32, #tpu.memory_space<vmem>> -> memref<2048xf32, #tpu.memory_space<vmem>>
        %dma_wait3A_117 = arith.constant 0 : i32
        %dma_wait3A_118 = tpu.memref_slice %arg19[%add3A_89, %dma_wait3A_117] : memref<16x2048xf32, #tpu.memory_space<vmem_shared>> -> memref<1x2048xf32, #tpu.memory_space<vmem_shared>>
        %dma_wait3A_119 = tpu.memref_squeeze %dma_wait3A_118 : memref<1x2048xf32, #tpu.memory_space<vmem_shared>> -> memref<2048xf32, #tpu.memory_space<vmem_shared>>
        %dma_wait3A_120 = arith.constant 0 : i32
        %dma_wait3A_121 = tpu.memref_slice %arg15[%run_scoped3A_90, %dma_wait3A_120] : memref<4x2048xf32, #tpu.memory_space<vmem>> -> memref<1x2048xf32, #tpu.memory_space<vmem>>
        %dma_wait3A_122 = tpu.memref_squeeze %dma_wait3A_121 : memref<1x2048xf32, #tpu.memory_space<vmem>> -> memref<2048xf32, #tpu.memory_space<vmem>>
        %dma_wait3A_123 = arith.constant 0 : i32
        %dma_wait3A_124 = tpu.memref_slice %arg19[%add3A_89, %dma_wait3A_123] : memref<16x2048xf32, #tpu.memory_space<vmem_shared>> -> memref<1x2048xf32, #tpu.memory_space<vmem_shared>>
        %dma_wait3A_125 = tpu.memref_squeeze %dma_wait3A_124 : memref<1x2048xf32, #tpu.memory_space<vmem_shared>> -> memref<2048xf32, #tpu.memory_space<vmem_shared>>
        tpu.wait_dma2 semaphore(%run_scoped3A_103 : memref<!tpu.dma_semaphore, #tpu.memory_space<semaphore_mem>>) src(%dma_wait3A_125 : memref<2048xf32, #tpu.memory_space<vmem_shared>>) dst(%dma_wait3A_122 : memref<2048xf32, #tpu.memory_space<vmem>>)
        tpu.yield
      }) : () -> ()
      %broadcast_in_dim3A = arith.constant -1.000000e+00 : f32
      %broadcast_in_dim3A_91 = vector.broadcast %broadcast_in_dim3A : f32 to vector<16xf32>
      %broadcast_in_dim3A_92 = arith.constant 0 : i32
      %broadcast_in_dim3A_93 = vector.broadcast %broadcast_in_dim3A_92 : i32 to vector<16xi32>
      %scan3A_94 = arith.constant 0 : i32
      %scan3A_95 = arith.constant 128 : i32
      %scan3A_96 = arith.addi %scan3A_94, %scan3A_95 : i32
      %scan3A_97 = arith.constant 1 : i32
      %scan3A_98:2 = scf.for %scan3A_103 = %scan3A_94 to %scan3A_96 step %scan3A_97 iter_args(%scan3A_104 = %broadcast_in_dim3A_91, %scan3A_105 = %broadcast_in_dim3A_93) -> (vector<16xf32>, vector<16xi32>)  : i32 {
        %mul3A_106 = arith.constant 16 : i32
        %mul3A_107 = arith.muli %scan3A_103, %mul3A_106 : i32
        %get3A = arith.constant 0 : i32
        %get3A_108 = arith.index_cast %get3A : i32 to index
        %get3A_109 = arith.index_cast %mul3A_107 : i32 to index
        %get3A_110 = tpu.vector_load %arg15[%get3A_108, %get3A_109] {strides = array<i32>} : memref<4x2048xf32, #tpu.memory_space<vmem>>, vector<16xf32>,
        %get3A_111 = arith.constant 1 : i32
        %get3A_112 = arith.index_cast %get3A_111 : i32 to index
        %get3A_113 = arith.index_cast %mul3A_107 : i32 to index
        %get3A_114 = tpu.vector_load %arg15[%get3A_112, %get3A_113] {strides = array<i32>} : memref<4x2048xf32, #tpu.memory_space<vmem>>, vector<16xf32>,
        %add3A_115 = arith.addf %get3A_110, %get3A_114 : vector<16xf32>
        %get3A_116 = arith.constant 2 : i32
        %get3A_117 = arith.index_cast %get3A_116 : i32 to index
        %get3A_118 = arith.index_cast %mul3A_107 : i32 to index
        %get3A_119 = tpu.vector_load %arg15[%get3A_117, %get3A_118] {strides = array<i32>} : memref<4x2048xf32, #tpu.memory_space<vmem>>, vector<16xf32>,
        %add3A_120 = arith.addf %add3A_115, %get3A_119 : vector<16xf32>
        %get3A_121 = arith.constant 3 : i32
        %get3A_122 = arith.index_cast %get3A_121 : i32 to index
        %get3A_123 = arith.index_cast %mul3A_107 : i32 to index
        %get3A_124 = tpu.vector_load %arg15[%get3A_122, %get3A_123] {strides = array<i32>} : memref<4x2048xf32, #tpu.memory_space<vmem>>, vector<16xf32>,
        %add3A_125 = arith.addf %add3A_120, %get3A_124 : vector<16xf32>
        %swap3A_126 = arith.index_cast %mul3A_107 : i32 to index
        %swap3A_127 = tpu.vector_load %arg18[%swap3A_126] {strides = array<i32>} : memref<2048xf32, #tpu.memory_space<vmem>>, vector<16xf32>,
        tpu.vector_store %arg18[%swap3A_126], %add3A_125 {strides = array<i32>} : memref<2048xf32, #tpu.memory_space<vmem>>, vector<16xf32>,
        %iota3A = tpu.iota {dimensions = array<i32: 0>} : vector<16xi32>
        %add3A_128 = vector.broadcast %mul3A_107 : i32 to vector<16xi32>
        %add3A_129 = arith.addi %iota3A, %add3A_128 : vector<16xi32>
        %reduce_max3A = arith.constant true
        %reduce_max3A_130 = vector.broadcast %reduce_max3A : i1 to vector<16xi1>
        %reduce_max3A_131 = tpu.scan <max>, %add3A_125 masked %reduce_max3A_130 : vector<16xf32>, vector<16xi1> -> vector<16xf32>
        %reduce_max3A_132 = vector.extract %reduce_max3A_131[15] : f32 from vector<16xf32>
        %reduce_min3A = arith.constant true
        %reduce_min3A_133 = vector.broadcast %reduce_min3A : i1 to vector<16xi1>
        %reduce_min3A_134 = tpu.scan <min>, %scan3A_104 masked %reduce_min3A_133 : vector<16xf32>, vector<16xi1> -> vector<16xf32>
        %reduce_min3A_135 = vector.extract %reduce_min3A_134[15] : f32 from vector<16xf32>
        %gt3A = arith.cmpf ogt, %reduce_max3A_132, %reduce_min3A_135 : f32
        %convert_element_type3A_136 = arith.extui %gt3A : i1 to i32
        %cond3A_137 = arith.constant 0 : i32
        %cond3A_138 = arith.cmpi ne, %convert_element_type3A_136, %cond3A_137 : i32
        %cond3A_139:2 = scf.if %cond3A_138 -> (vector<16xf32>, vector<16xi32>) {
          %masked_sort3A = arith.constant dense<true> : vector<16xi1>
          %masked_sort3A_140, %masked_sort3A_141, %masked_sort3A_142 = tpu.sort %add3A_125, %add3A_129 masked %masked_sort3A : (vector<16xf32>, vector<16xi32>, vector<16xi1>) -> (vector<16xi1>, vector<16xf32>, vector<16xi32>)
          %ge3A = arith.cmpf oge, %scan3A_104, %masked_sort3A_141 : vector<16xf32>
          %select_n3A_143 = arith.select %ge3A, %scan3A_104, %masked_sort3A_141 : vector<16xi1>, vector<16xf32>
          %select_n3A_144 = arith.select %ge3A, %scan3A_105, %masked_sort3A_142 : vector<16xi1>, vector<16xi32>
          %masked_sort3A_145 = arith.constant dense<true> : vector<16xi1>
          %masked_sort3A_146, %masked_sort3A_147, %masked_sort3A_148 = tpu.sort %select_n3A_143, %select_n3A_144 masked %masked_sort3A_145 {descending = true} : (vector<16xf32>, vector<16xi32>, vector<16xi1>) -> (vector<16xi1>, vector<16xf32>, vector<16xi32>)
          scf.yield %masked_sort3A_147, %masked_sort3A_148 : vector<16xf32>, vector<16xi32>
        } else {
          scf.yield %scan3A_104, %scan3A_105 : vector<16xf32>, vector<16xi32>
        }
        scf.yield %cond3A_139#0, %cond3A_139#1 : vector<16xf32>, vector<16xi32>
      }
      %scan3A_99 = arith.constant 128 : i32
      %swap3A = arith.constant 0 : index
      %swap3A_100 = tpu.vector_load %arg16[%swap3A] {strides = array<i32>} : memref<16xf32, #tpu.memory_space<vmem>>, vector<16xf32>,
      tpu.vector_store %arg16[%swap3A], %scan3A_98#0 {strides = array<i32>} : memref<16xf32, #tpu.memory_space<vmem>>, vector<16xf32>,
      %swap3A_101 = arith.constant 0 : index
      %swap3A_102 = tpu.vector_load %arg17[%swap3A_101] {strides = array<i32>} : memref<16xi32, #tpu.memory_space<vmem>>, vector<16xi32>,
      tpu.vector_store %arg17[%swap3A_101], %scan3A_98#1 {strides = array<i32>} : memref<16xi32, #tpu.memory_space<vmem>>, vector<16xi32>,
      "tpu.region"() ({
        %run_scoped3A_103 = tpu.sem_alloc : memref<!tpu.dma_semaphore, #tpu.memory_space<semaphore_mem>>
        %dma_start3A = arith.constant 0 : i32
        %dma_start3A_104 = tpu.memref_slice %arg6[%add3A, %dma_start3A] : memref<8x16xf32, #tpu.memory_space<hbm>> -> memref<1x16xf32, #tpu.memory_space<hbm>>
        %dma_start3A_105 = tpu.memref_squeeze %dma_start3A_104 : memref<1x16xf32, #tpu.memory_space<hbm>> -> memref<16xf32, #tpu.memory_space<hbm>>
        %dma_start3A_106 = arith.constant 0 : i32
        %dma_start3A_107 = tpu.memref_slice %arg6[%add3A, %dma_start3A_106] : memref<8x16xf32, #tpu.memory_space<hbm>> -> memref<1x16xf32, #tpu.memory_space<hbm>>
        %dma_start3A_108 = tpu.memref_squeeze %dma_start3A_107 : memref<1x16xf32, #tpu.memory_space<hbm>> -> memref<16xf32, #tpu.memory_space<hbm>>
        tpu.enqueue_dma source(%arg16 : memref<16xf32, #tpu.memory_space<vmem>>) target(%dma_start3A_108 : memref<16xf32, #tpu.memory_space<hbm>>) target_semaphore(%run_scoped3A_103 : memref<!tpu.dma_semaphore, #tpu.memory_space<semaphore_mem>>)
        %dma_wait3A = arith.constant 0 : i32
        %dma_wait3A_109 = tpu.memref_slice %arg6[%add3A, %dma_wait3A] : memref<8x16xf32, #tpu.memory_space<hbm>> -> memref<1x16xf32, #tpu.memory_space<hbm>>
        %dma_wait3A_110 = tpu.memref_squeeze %dma_wait3A_109 : memref<1x16xf32, #tpu.memory_space<hbm>> -> memref<16xf32, #tpu.memory_space<hbm>>
        %dma_wait3A_111 = arith.constant 0 : i32
        %dma_wait3A_112 = tpu.memref_slice %arg6[%add3A, %dma_wait3A_111] : memref<8x16xf32, #tpu.memory_space<hbm>> -> memref<1x16xf32, #tpu.memory_space<hbm>>
        %dma_wait3A_113 = tpu.memref_squeeze %dma_wait3A_112 : memref<1x16xf32, #tpu.memory_space<hbm>> -> memref<16xf32, #tpu.memory_space<hbm>>
        tpu.wait_dma2 semaphore(%run_scoped3A_103 : memref<!tpu.dma_semaphore, #tpu.memory_space<semaphore_mem>>) src(%arg16 : memref<16xf32, #tpu.memory_space<vmem>>) dst(%dma_wait3A_113 : memref<16xf32, #tpu.memory_space<hbm>>)
        tpu.yield
      }) : () -> ()
      "tpu.region"() ({
        %run_scoped3A_103 = tpu.sem_alloc : memref<!tpu.dma_semaphore, #tpu.memory_space<semaphore_mem>>
        %dma_start3A = arith.constant 0 : i32
        %dma_start3A_104 = tpu.memref_slice %arg7[%add3A, %dma_start3A] : memref<8x16xi32, #tpu.memory_space<hbm>> -> memref<1x16xi32, #tpu.memory_space<hbm>>
        %dma_start3A_105 = tpu.memref_squeeze %dma_start3A_104 : memref<1x16xi32, #tpu.memory_space<hbm>> -> memref<16xi32, #tpu.memory_space<hbm>>
        %dma_start3A_106 = arith.constant 0 : i32
        %dma_start3A_107 = tpu.memref_slice %arg7[%add3A, %dma_start3A_106] : memref<8x16xi32, #tpu.memory_space<hbm>> -> memref<1x16xi32, #tpu.memory_space<hbm>>
        %dma_start3A_108 = tpu.memref_squeeze %dma_start3A_107 : memref<1x16xi32, #tpu.memory_space<hbm>> -> memref<16xi32, #tpu.memory_space<hbm>>
        tpu.enqueue_dma source(%arg17 : memref<16xi32, #tpu.memory_space<vmem>>) target(%dma_start3A_108 : memref<16xi32, #tpu.memory_space<hbm>>) target_semaphore(%run_scoped3A_103 : memref<!tpu.dma_semaphore, #tpu.memory_space<semaphore_mem>>)
        %dma_wait3A = arith.constant 0 : i32
        %dma_wait3A_109 = tpu.memref_slice %arg7[%add3A, %dma_wait3A] : memref<8x16xi32, #tpu.memory_space<hbm>> -> memref<1x16xi32, #tpu.memory_space<hbm>>
        %dma_wait3A_110 = tpu.memref_squeeze %dma_wait3A_109 : memref<1x16xi32, #tpu.memory_space<hbm>> -> memref<16xi32, #tpu.memory_space<hbm>>
        %dma_wait3A_111 = arith.constant 0 : i32
        %dma_wait3A_112 = tpu.memref_slice %arg7[%add3A, %dma_wait3A_111] : memref<8x16xi32, #tpu.memory_space<hbm>> -> memref<1x16xi32, #tpu.memory_space<hbm>>
        %dma_wait3A_113 = tpu.memref_squeeze %dma_wait3A_112 : memref<1x16xi32, #tpu.memory_space<hbm>> -> memref<16xi32, #tpu.memory_space<hbm>>
        tpu.wait_dma2 semaphore(%run_scoped3A_103 : memref<!tpu.dma_semaphore, #tpu.memory_space<semaphore_mem>>) src(%arg17 : memref<16xi32, #tpu.memory_space<vmem>>) dst(%dma_wait3A_113 : memref<16xi32, #tpu.memory_space<hbm>>)
        tpu.yield
      }) : () -> ()
      "tpu.region"() ({
        %run_scoped3A_103 = tpu.sem_alloc : memref<!tpu.dma_semaphore, #tpu.memory_space<semaphore_mem>>
        %dma_start3A = arith.constant 0 : i32
        %dma_start3A_104 = tpu.memref_slice %arg8[%add3A, %dma_start3A] : memref<8x2048xf32, #tpu.memory_space<hbm>> -> memref<1x2048xf32, #tpu.memory_space<hbm>>
        %dma_start3A_105 = tpu.memref_squeeze %dma_start3A_104 : memref<1x2048xf32, #tpu.memory_space<hbm>> -> memref<2048xf32, #tpu.memory_space<hbm>>
        %dma_start3A_106 = arith.constant 0 : i32
        %dma_start3A_107 = tpu.memref_slice %arg8[%add3A, %dma_start3A_106] : memref<8x2048xf32, #tpu.memory_space<hbm>> -> memref<1x2048xf32, #tpu.memory_space<hbm>>
        %dma_start3A_108 = tpu.memref_squeeze %dma_start3A_107 : memref<1x2048xf32, #tpu.memory_space<hbm>> -> memref<2048xf32, #tpu.memory_space<hbm>>
        tpu.enqueue_dma source(%arg18 : memref<2048xf32, #tpu.memory_space<vmem>>) target(%dma_start3A_108 : memref<2048xf32, #tpu.memory_space<hbm>>) target_semaphore(%run_scoped3A_103 : memref<!tpu.dma_semaphore, #tpu.memory_space<semaphore_mem>>)
        %dma_wait3A = arith.constant 0 : i32
        %dma_wait3A_109 = tpu.memref_slice %arg8[%add3A, %dma_wait3A] : memref<8x2048xf32, #tpu.memory_space<hbm>> -> memref<1x2048xf32, #tpu.memory_space<hbm>>
        %dma_wait3A_110 = tpu.memref_squeeze %dma_wait3A_109 : memref<1x2048xf32, #tpu.memory_space<hbm>> -> memref<2048xf32, #tpu.memory_space<hbm>>
        %dma_wait3A_111 = arith.constant 0 : i32
        %dma_wait3A_112 = tpu.memref_slice %arg8[%add3A, %dma_wait3A_111] : memref<8x2048xf32, #tpu.memory_space<hbm>> -> memref<1x2048xf32, #tpu.memory_space<hbm>>
        %dma_wait3A_113 = tpu.memref_squeeze %dma_wait3A_112 : memref<1x2048xf32, #tpu.memory_space<hbm>> -> memref<2048xf32, #tpu.memory_space<hbm>>
        tpu.wait_dma2 semaphore(%run_scoped3A_103 : memref<!tpu.dma_semaphore, #tpu.memory_space<semaphore_mem>>) src(%arg18 : memref<2048xf32, #tpu.memory_space<vmem>>) dst(%dma_wait3A_113 : memref<2048xf32, #tpu.memory_space<hbm>>)
        tpu.yield
      }) : () -> ()
    } else {
    }
    return
  }
}

module attributes {stable_mosaic.version = 14 : i64} {
  func.func @_local_body(%arg0: i32, %arg1: i32, %arg2: memref<1x256x2048xf32, #tpu.memory_space<vmem>>, %arg3: memref<192x256xf32, #tpu.memory_space<vmem>>, %arg4: memref<192x256xf32, #tpu.memory_space<vmem>>, %arg5: memref<192x256xf32, #tpu.memory_space<vmem>>, %arg6: memref<1x4x128x16xf32, #tpu.memory_space<vmem>>, %arg7: memref<1x192x128xf32, #tpu.memory_space<vmem>>) attributes {dimension_semantics = [#tpu.dimension_semantics<arbitrary>, #tpu.dimension_semantics<arbitrary>], iteration_bounds = array<i64: 2, 16>, scalar_prefetch = 0 : i64, scratch_operands = 0 : i64, tpu.core_type = #tpu.core_type<tc>, window_params = [{transform_indices = @transform_0, window_bounds = array<i64: 1, 256, 2048>}, {pipeline_mode = #tpu.pipeline_mode<synchronous>, transform_indices = @transform_1, window_bounds = array<i64: 192, 256>}, {pipeline_mode = #tpu.pipeline_mode<synchronous>, transform_indices = @transform_2, window_bounds = array<i64: 192, 256>}, {pipeline_mode = #tpu.pipeline_mode<synchronous>, transform_indices = @transform_3, window_bounds = array<i64: 192, 256>}, {transform_indices = @transform_4, window_bounds = array<i64: 1, 4, 128, 16>}, {transform_indices = @transform_5, window_bounds = array<i64: 1, 192, 128>}]} {
    %get3A = arith.constant 0 : index
    %get3A_0 = arith.constant 0 : index
    %get3A_1 = arith.constant 0 : index
    %get3A_2 = vector.load %arg2[%get3A, %get3A_0, %get3A_1] : memref<1x256x2048xf32, #tpu.memory_space<vmem>>, vector<1x256x2048xf32>
    %get3A_3 = vector.shape_cast %get3A_2 : vector<1x256x2048xf32> to vector<256x2048xf32>
    %get3A_4 = arith.constant 0 : index
    %get3A_5 = arith.constant 0 : index
    %get3A_6 = vector.load %arg3[%get3A_4, %get3A_5] : memref<192x256xf32, #tpu.memory_space<vmem>>, vector<192x256xf32>
    %dot_general3A = arith.constant dense<0.000000e+00> : vector<192x2048xf32>
    %dot_general3A_7 = tpu.matmul %get3A_6, %get3A_3, %dot_general3A {dimension_numbers = #tpu.dot_dimension_numbers<[1], [0], [0], [1], [0, 0, 1, 1], [], []>, transpose_lhs_hint = false} : vector<192x256xf32>, vector<256x2048xf32>, vector<192x2048xf32> -> vector<192x2048xf32>
    %get3A_8 = arith.constant 0 : index
    %get3A_9 = arith.constant 0 : index
    %get3A_10 = vector.load %arg4[%get3A_8, %get3A_9] : memref<192x256xf32, #tpu.memory_space<vmem>>, vector<192x256xf32>
    %dot_general3A_11 = arith.constant dense<0.000000e+00> : vector<192x2048xf32>
    %dot_general3A_12 = tpu.matmul %get3A_10, %get3A_3, %dot_general3A_11 {dimension_numbers = #tpu.dot_dimension_numbers<[1], [0], [0], [1], [0, 0, 1, 1], [], []>, transpose_lhs_hint = false} : vector<192x256xf32>, vector<256x2048xf32>, vector<192x2048xf32> -> vector<192x2048xf32>
    %get3A_13 = arith.constant 0 : index
    %get3A_14 = arith.constant 0 : index
    %get3A_15 = vector.load %arg5[%get3A_13, %get3A_14] : memref<192x256xf32, #tpu.memory_space<vmem>>, vector<192x256xf32>
    %dot_general3A_16 = arith.constant dense<0.000000e+00> : vector<192x2048xf32>
    %dot_general3A_17 = tpu.matmul %get3A_15, %get3A_3, %dot_general3A_16 {dimension_numbers = #tpu.dot_dimension_numbers<[1], [0], [0], [1], [0, 0, 1, 1], [], []>, transpose_lhs_hint = false} : vector<192x256xf32>, vector<256x2048xf32>, vector<192x2048xf32> -> vector<192x2048xf32>
    %mul3A = arith.mulf %dot_general3A_7, %dot_general3A_12 : vector<192x2048xf32>
    %iota3A = tpu.iota {dimensions = array<i32: 1>} : vector<4x192xi32>
    %jit3A = arith.constant 48 : i32
    %div3A = vector.broadcast %jit3A : i32 to vector<4x192xi32>
    %div3A_18 = arith.divsi %iota3A, %div3A : vector<4x192xi32>
    %sign3A = arith.constant 0 : i32
    %sign3A_19 = vector.broadcast %sign3A : i32 to vector<4x192xi32>
    %sign3A_20 = arith.cmpi sgt, %iota3A, %sign3A_19 : vector<4x192xi32>
    %sign3A_21 = arith.extui %sign3A_20 : vector<4x192xi1> to vector<4x192xi32>
    %sign3A_22 = arith.constant 0 : i32
    %sign3A_23 = vector.broadcast %sign3A_22 : i32 to vector<4x192xi32>
    %sign3A_24 = arith.cmpi slt, %iota3A, %sign3A_23 : vector<4x192xi32>
    %sign3A_25 = arith.extui %sign3A_24 : vector<4x192xi1> to vector<4x192xi32>
    %sign3A_26 = arith.subi %sign3A_21, %sign3A_25 : vector<4x192xi32>
    %sign3A_27 = arith.constant 0 : i32
    %sign3A_28 = arith.cmpi sgt, %jit3A, %sign3A_27 : i32
    %sign3A_29 = arith.extui %sign3A_28 : i1 to i32
    %sign3A_30 = arith.constant 0 : i32
    %sign3A_31 = arith.cmpi slt, %jit3A, %sign3A_30 : i32
    %sign3A_32 = arith.extui %sign3A_31 : i1 to i32
    %sign3A_33 = arith.subi %sign3A_29, %sign3A_32 : i32
    %ne3A = vector.broadcast %sign3A_33 : i32 to vector<4x192xi32>
    %ne3A_34 = arith.cmpi ne, %sign3A_26, %ne3A : vector<4x192xi32>
    %rem3A = vector.broadcast %jit3A : i32 to vector<4x192xi32>
    %rem3A_35 = arith.remsi %iota3A, %rem3A : vector<4x192xi32>
    %ne3A_36 = arith.constant 0 : i32
    %ne3A_37 = vector.broadcast %ne3A_36 : i32 to vector<4x192xi32>
    %ne3A_38 = arith.cmpi ne, %rem3A_35, %ne3A_37 : vector<4x192xi32>
    %and3A = arith.andi %ne3A_34, %ne3A_38 : vector<4x192xi1>
    %sub3A = arith.constant 1 : i32
    %sub3A_39 = vector.broadcast %sub3A : i32 to vector<4x192xi32>
    %sub3A_40 = arith.subi %div3A_18, %sub3A_39 : vector<4x192xi32>
    %select_n3A = arith.select %and3A, %sub3A_40, %div3A_18 : vector<4x192xi1>, vector<4x192xi32>
    %iota3A_41 = tpu.iota {dimensions = array<i32: 0>} : vector<4x192xi32>
    %eq3A = arith.cmpi eq, %select_n3A, %iota3A_41 : vector<4x192xi32>
    %convert_element_type3A = arith.extui %eq3A : vector<4x192xi1> to vector<4x192xi32>
    %convert_element_type3A_42 = arith.sitofp %convert_element_type3A : vector<4x192xi32> to vector<4x192xf32>
    %dot_general3A_43 = arith.constant dense<0.000000e+00> : vector<4x2048xf32>
    %dot_general3A_44 = tpu.matmul %convert_element_type3A_42, %mul3A, %dot_general3A_43 {dimension_numbers = #tpu.dot_dimension_numbers<[1], [0], [0], [1], [0, 0, 1, 1], [], []>, precision = #tpu.contract_precision<fp32>, transpose_lhs_hint = false} : vector<4x192xf32>, vector<192x2048xf32>, vector<4x2048xf32> -> vector<4x2048xf32>
    %reshape3A = vector.shape_cast %dot_general3A_44 : vector<4x2048xf32> to vector<4x128x16xf32>
    %reduce_max3A = arith.constant dense<0xFF800000> : vector<4x128xf32>
    %reduce_max3A_45 = vector.multi_reduction <maximumf>, %reshape3A, %reduce_max3A [2] : vector<4x128x16xf32> to vector<4x128xf32>
    %broadcast_in_dim3A = vector.shape_cast %reduce_max3A_45 : vector<4x128xf32> to vector<4x128x1xf32>
    %sub3A_46 = vector.broadcast %broadcast_in_dim3A : vector<4x128x1xf32> to vector<4x128x16xf32>
    %sub3A_47 = arith.subf %reshape3A, %sub3A_46 : vector<4x128x16xf32>
    %exp3A = math.exp %sub3A_47 : vector<4x128x16xf32>
    %reduce_sum3A = arith.constant dense<0.000000e+00> : vector<4x128xf32>
    %reduce_sum3A_48 = vector.multi_reduction <add>, %exp3A, %reduce_sum3A [2] : vector<4x128x16xf32> to vector<4x128xf32>
    %broadcast_in_dim3A_49 = vector.shape_cast %reduce_sum3A_48 : vector<4x128xf32> to vector<4x128x1xf32>
    %div3A_50 = vector.broadcast %broadcast_in_dim3A_49 : vector<4x128x1xf32> to vector<4x128x16xf32>
    %div3A_51 = arith.divf %exp3A, %div3A_50 : vector<4x128x16xf32>
    %transpose3A = tpu.transpose %convert_element_type3A_42, [1, 0] : vector<4x192xf32> -> vector<192x4xf32>
    %reshape3A_52 = vector.shape_cast %div3A_51 : vector<4x128x16xf32> to vector<4x2048xf32>
    %dot_general3A_53 = arith.constant dense<0.000000e+00> : vector<192x2048xf32>
    %dot_general3A_54 = tpu.matmul %transpose3A, %reshape3A_52, %dot_general3A_53 {dimension_numbers = #tpu.dot_dimension_numbers<[1], [0], [0], [1], [0, 0, 1, 1], [], []>, precision = #tpu.contract_precision<fp32>, transpose_lhs_hint = false} : vector<192x4xf32>, vector<4x2048xf32>, vector<192x2048xf32> -> vector<192x2048xf32>
    %iota3A_55 = tpu.iota {dimensions = array<i32: 0>} : vector<2048x128xi32>
    %jit3A_56 = arith.constant 16 : i32
    %div3A_57 = vector.broadcast %jit3A_56 : i32 to vector<2048x128xi32>
    %div3A_58 = arith.divsi %iota3A_55, %div3A_57 : vector<2048x128xi32>
    %sign3A_59 = arith.constant 0 : i32
    %sign3A_60 = vector.broadcast %sign3A_59 : i32 to vector<2048x128xi32>
    %sign3A_61 = arith.cmpi sgt, %iota3A_55, %sign3A_60 : vector<2048x128xi32>
    %sign3A_62 = arith.extui %sign3A_61 : vector<2048x128xi1> to vector<2048x128xi32>
    %sign3A_63 = arith.constant 0 : i32
    %sign3A_64 = vector.broadcast %sign3A_63 : i32 to vector<2048x128xi32>
    %sign3A_65 = arith.cmpi slt, %iota3A_55, %sign3A_64 : vector<2048x128xi32>
    %sign3A_66 = arith.extui %sign3A_65 : vector<2048x128xi1> to vector<2048x128xi32>
    %sign3A_67 = arith.subi %sign3A_62, %sign3A_66 : vector<2048x128xi32>
    %sign3A_68 = arith.constant 0 : i32
    %sign3A_69 = arith.cmpi sgt, %jit3A_56, %sign3A_68 : i32
    %sign3A_70 = arith.extui %sign3A_69 : i1 to i32
    %sign3A_71 = arith.constant 0 : i32
    %sign3A_72 = arith.cmpi slt, %jit3A_56, %sign3A_71 : i32
    %sign3A_73 = arith.extui %sign3A_72 : i1 to i32
    %sign3A_74 = arith.subi %sign3A_70, %sign3A_73 : i32
    %ne3A_75 = vector.broadcast %sign3A_74 : i32 to vector<2048x128xi32>
    %ne3A_76 = arith.cmpi ne, %sign3A_67, %ne3A_75 : vector<2048x128xi32>
    %rem3A_77 = vector.broadcast %jit3A_56 : i32 to vector<2048x128xi32>
    %rem3A_78 = arith.remsi %iota3A_55, %rem3A_77 : vector<2048x128xi32>
    %ne3A_79 = arith.constant 0 : i32
    %ne3A_80 = vector.broadcast %ne3A_79 : i32 to vector<2048x128xi32>
    %ne3A_81 = arith.cmpi ne, %rem3A_78, %ne3A_80 : vector<2048x128xi32>
    %and3A_82 = arith.andi %ne3A_76, %ne3A_81 : vector<2048x128xi1>
    %sub3A_83 = arith.constant 1 : i32
    %sub3A_84 = vector.broadcast %sub3A_83 : i32 to vector<2048x128xi32>
    %sub3A_85 = arith.subi %div3A_58, %sub3A_84 : vector<2048x128xi32>
    %select_n3A_86 = arith.select %and3A_82, %sub3A_85, %div3A_58 : vector<2048x128xi1>, vector<2048x128xi32>
    %iota3A_87 = tpu.iota {dimensions = array<i32: 1>} : vector<2048x128xi32>
    %eq3A_88 = arith.cmpi eq, %select_n3A_86, %iota3A_87 : vector<2048x128xi32>
    %convert_element_type3A_89 = arith.extui %eq3A_88 : vector<2048x128xi1> to vector<2048x128xi32>
    %convert_element_type3A_90 = arith.sitofp %convert_element_type3A_89 : vector<2048x128xi32> to vector<2048x128xf32>
    %mul3A_91 = arith.mulf %dot_general3A_54, %dot_general3A_17 : vector<192x2048xf32>
    %dot_general3A_92 = arith.constant dense<0.000000e+00> : vector<192x128xf32>
    %dot_general3A_93 = tpu.matmul %mul3A_91, %convert_element_type3A_90, %dot_general3A_92 {dimension_numbers = #tpu.dot_dimension_numbers<[1], [0], [0], [1], [0, 0, 1, 1], [], []>, precision = #tpu.contract_precision<fp32>, transpose_lhs_hint = false} : vector<192x2048xf32>, vector<2048x128xf32>, vector<192x128xf32> -> vector<192x128xf32>
    %swap3A = arith.constant 0 : index
    %swap3A_94 = arith.constant 0 : index
    %swap3A_95 = arith.constant 0 : index
    %swap3A_96 = vector.load %arg7[%swap3A, %swap3A_94, %swap3A_95] : memref<1x192x128xf32, #tpu.memory_space<vmem>>, vector<1x192x128xf32>
    %swap3A_97 = vector.shape_cast %swap3A_96 : vector<1x192x128xf32> to vector<192x128xf32>
    %swap3A_98 = vector.shape_cast %dot_general3A_93 : vector<192x128xf32> to vector<1x192x128xf32>
    tpu.vector_store %arg7[%swap3A, %swap3A_94, %swap3A_95], %swap3A_98 {strides = array<i32>} : memref<1x192x128xf32, #tpu.memory_space<vmem>>, vector<1x192x128xf32>,
    %swap3A_99 = arith.constant 0 : index
    %swap3A_100 = arith.constant 0 : index
    %swap3A_101 = arith.constant 0 : index
    %swap3A_102 = arith.constant 0 : index
    %swap3A_103 = vector.load %arg6[%swap3A_99, %swap3A_100, %swap3A_101, %swap3A_102] : memref<1x4x128x16xf32, #tpu.memory_space<vmem>>, vector<1x4x128x16xf32>
    %swap3A_104 = vector.shape_cast %swap3A_103 : vector<1x4x128x16xf32> to vector<4x128x16xf32>
    %swap3A_105 = vector.shape_cast %div3A_51 : vector<4x128x16xf32> to vector<1x4x128x16xf32>
    tpu.vector_store %arg6[%swap3A_99, %swap3A_100, %swap3A_101, %swap3A_102], %swap3A_105 {strides = array<i32>} : memref<1x4x128x16xf32, #tpu.memory_space<vmem>>, vector<1x4x128x16xf32>,
    return
  }
  func.func @transform_0(%arg0: i32, %arg1: i32) -> (i32, i32, i32) {
    %c0_i32 = arith.constant 0 : i32
    %c0_i32_0 = arith.constant 0 : i32
    return %arg0, %c0_i32, %arg1 : i32, i32, i32
  }
  func.func @transform_1(%arg0: i32, %arg1: i32) -> (i32, i32) {
    %c0_i32 = arith.constant 0 : i32
    %c0_i32_0 = arith.constant 0 : i32
    %c0_i32_1 = arith.constant 0 : i32
    return %c0_i32, %c0_i32_0 : i32, i32
  }
  func.func @transform_2(%arg0: i32, %arg1: i32) -> (i32, i32) {
    %c0_i32 = arith.constant 0 : i32
    %c0_i32_0 = arith.constant 0 : i32
    %c0_i32_1 = arith.constant 0 : i32
    return %c0_i32, %c0_i32_0 : i32, i32
  }
  func.func @transform_3(%arg0: i32, %arg1: i32) -> (i32, i32) {
    %c0_i32 = arith.constant 0 : i32
    %c0_i32_0 = arith.constant 0 : i32
    %c0_i32_1 = arith.constant 0 : i32
    return %c0_i32, %c0_i32_0 : i32, i32
  }
  func.func @transform_4(%arg0: i32, %arg1: i32) -> (i32, i32, i32, i32) {
    %c0_i32 = arith.constant 0 : i32
    %c0_i32_0 = arith.constant 0 : i32
    %c0_i32_1 = arith.constant 0 : i32
    return %arg0, %c0_i32, %arg1, %c0_i32_0 : i32, i32, i32, i32
  }
  func.func @transform_5(%arg0: i32, %arg1: i32) -> (i32, i32, i32) {
    %c0_i32 = arith.constant 0 : i32
    %c0_i32_0 = arith.constant 0 : i32
    return %arg0, %c0_i32, %arg1 : i32, i32, i32
  }
}

module attributes {stable_mosaic.version = 14 : i64} {
  func.func @_nl_body(%arg0: i32, %arg1: i32, %arg2: memref<1x128x2048xf32, #tpu.memory_space<vmem>>, %arg3: memref<16x128xf32, #tpu.memory_space<vmem>>, %arg4: memref<16x128xf32, #tpu.memory_space<vmem>>, %arg5: memref<16x128xf32, #tpu.memory_space<vmem>>, %arg6: memref<1x1x1x16xi32, #tpu.memory_space<vmem>>, %arg7: memref<1x1x1x16xf32, #tpu.memory_space<vmem>>, %arg8: memref<1x1x16x2048xf32, #tpu.memory_space<vmem>>) attributes {dimension_semantics = [#tpu.dimension_semantics<arbitrary>, #tpu.dimension_semantics<arbitrary>], iteration_bounds = array<i64: 2, 4>, scalar_prefetch = 0 : i64, scratch_operands = 0 : i64, tpu.core_type = #tpu.core_type<tc>, window_params = [{transform_indices = @transform_0, window_bounds = array<i64: 1, 128, 2048>}, {transform_indices = @transform_1, window_bounds = array<i64: 16, 128>}, {transform_indices = @transform_2, window_bounds = array<i64: 16, 128>}, {transform_indices = @transform_3, window_bounds = array<i64: 16, 128>}, {transform_indices = @transform_4, window_bounds = array<i64: 1, 1, 1, 16>}, {transform_indices = @transform_5, window_bounds = array<i64: 1, 1, 1, 16>}, {transform_indices = @transform_6, window_bounds = array<i64: 1, 1, 16, 2048>}]} {
    %get3A = arith.constant 0 : index
    %get3A_0 = arith.constant 0 : index
    %get3A_1 = arith.constant 0 : index
    %get3A_2 = vector.load %arg2[%get3A, %get3A_0, %get3A_1] : memref<1x128x2048xf32, #tpu.memory_space<vmem>>, vector<1x128x2048xf32>
    %get3A_3 = vector.shape_cast %get3A_2 : vector<1x128x2048xf32> to vector<128x2048xf32>
    %get3A_4 = arith.constant 0 : index
    %get3A_5 = arith.constant 0 : index
    %get3A_6 = arith.constant 0 : index
    %get3A_7 = arith.constant 0 : index
    %get3A_8 = vector.load %arg6[%get3A_4, %get3A_5, %get3A_6, %get3A_7] : memref<1x1x1x16xi32, #tpu.memory_space<vmem>>, vector<1x1x1x16xi32>
    %get3A_9 = vector.shape_cast %get3A_8 : vector<1x1x1x16xi32> to vector<16xi32>
    %get3A_10 = arith.constant 0 : index
    %get3A_11 = arith.constant 0 : index
    %get3A_12 = arith.constant 0 : index
    %get3A_13 = arith.constant 0 : index
    %get3A_14 = vector.load %arg7[%get3A_10, %get3A_11, %get3A_12, %get3A_13] : memref<1x1x1x16xf32, #tpu.memory_space<vmem>>, vector<1x1x1x16xf32>
    %get3A_15 = vector.shape_cast %get3A_14 : vector<1x1x1x16xf32> to vector<16xf32>
    %iota3A = tpu.iota {dimensions = array<i32: 0>} : vector<2048x16xi32>
    %broadcast_in_dim3A = vector.shape_cast %get3A_9 : vector<16xi32> to vector<1x16xi32>
    %eq3A = vector.broadcast %broadcast_in_dim3A : vector<1x16xi32> to vector<2048x16xi32>
    %eq3A_16 = arith.cmpi eq, %iota3A, %eq3A : vector<2048x16xi32>
    %convert_element_type3A = arith.extui %eq3A_16 : vector<2048x16xi1> to vector<2048x16xi32>
    %convert_element_type3A_17 = arith.sitofp %convert_element_type3A : vector<2048x16xi32> to vector<2048x16xf32>
    %dot_general3A = arith.constant dense<0.000000e+00> : vector<128x16xf32>
    %dot_general3A_18 = tpu.matmul %get3A_3, %convert_element_type3A_17, %dot_general3A {dimension_numbers = #tpu.dot_dimension_numbers<[1], [0], [0], [1], [0, 0, 1, 1], [], []>, precision = #tpu.contract_precision<fp32>, transpose_lhs_hint = false} : vector<128x2048xf32>, vector<2048x16xf32>, vector<128x16xf32> -> vector<128x16xf32>
    %get3A_19 = arith.constant 0 : index
    %get3A_20 = arith.constant 0 : index
    %get3A_21 = vector.load %arg3[%get3A_19, %get3A_20] : memref<16x128xf32, #tpu.memory_space<vmem>>, vector<16x128xf32>
    %dot_general3A_22 = arith.constant dense<0.000000e+00> : vector<16x2048xf32>
    %dot_general3A_23 = tpu.matmul %get3A_21, %get3A_3, %dot_general3A_22 {dimension_numbers = #tpu.dot_dimension_numbers<[1], [0], [0], [1], [0, 0, 1, 1], [], []>, transpose_lhs_hint = false} : vector<16x128xf32>, vector<128x2048xf32>, vector<16x2048xf32> -> vector<16x2048xf32>
    %get3A_24 = arith.constant 0 : index
    %get3A_25 = arith.constant 0 : index
    %get3A_26 = vector.load %arg4[%get3A_24, %get3A_25] : memref<16x128xf32, #tpu.memory_space<vmem>>, vector<16x128xf32>
    %dot_general3A_27 = arith.constant dense<0.000000e+00> : vector<16x16xf32>
    %dot_general3A_28 = tpu.matmul %get3A_26, %dot_general3A_18, %dot_general3A_27 {dimension_numbers = #tpu.dot_dimension_numbers<[1], [0], [0], [1], [0, 0, 1, 1], [], []>, transpose_lhs_hint = false} : vector<16x128xf32>, vector<128x16xf32>, vector<16x16xf32> -> vector<16x16xf32>
    %get3A_29 = arith.constant 0 : index
    %get3A_30 = arith.constant 0 : index
    %get3A_31 = vector.load %arg5[%get3A_29, %get3A_30] : memref<16x128xf32, #tpu.memory_space<vmem>>, vector<16x128xf32>
    %dot_general3A_32 = arith.constant dense<0.000000e+00> : vector<16x16xf32>
    %dot_general3A_33 = tpu.matmul %get3A_31, %dot_general3A_18, %dot_general3A_32 {dimension_numbers = #tpu.dot_dimension_numbers<[1], [0], [0], [1], [0, 0, 1, 1], [], []>, transpose_lhs_hint = false} : vector<16x128xf32>, vector<128x16xf32>, vector<16x16xf32> -> vector<16x16xf32>
    %tanh3A = math.tanh %get3A_15 : vector<16xf32>
    %broadcast_in_dim3A_34 = vector.shape_cast %tanh3A : vector<16xf32> to vector<1x16xf32>
    %mul3A = vector.broadcast %broadcast_in_dim3A_34 : vector<1x16xf32> to vector<16x16xf32>
    %mul3A_35 = arith.mulf %dot_general3A_33, %mul3A : vector<16x16xf32>
    %dot_general3A_36 = arith.constant dense<0.000000e+00> : vector<16x2048xf32>
    %dot_general3A_37 = tpu.matmul %dot_general3A_28, %dot_general3A_23, %dot_general3A_36 {dimension_numbers = #tpu.dot_dimension_numbers<[0], [0], [1], [1], [0, 1, 1, 1], [], []>, transpose_lhs_hint = false} : vector<16x16xf32>, vector<16x2048xf32>, vector<16x2048xf32> -> vector<16x2048xf32>
    %reduce_max3A = arith.constant dense<0xFF800000> : vector<2048xf32>
    %reduce_max3A_38 = vector.multi_reduction <maximumf>, %dot_general3A_37, %reduce_max3A [0] : vector<16x2048xf32> to vector<2048xf32>
    %broadcast_in_dim3A_39 = vector.shape_cast %reduce_max3A_38 : vector<2048xf32> to vector<1x2048xf32>
    %sub3A = vector.broadcast %broadcast_in_dim3A_39 : vector<1x2048xf32> to vector<16x2048xf32>
    %sub3A_40 = arith.subf %dot_general3A_37, %sub3A : vector<16x2048xf32>
    %exp3A = math.exp %sub3A_40 : vector<16x2048xf32>
    %reduce_sum3A = arith.constant dense<0.000000e+00> : vector<2048xf32>
    %reduce_sum3A_41 = vector.multi_reduction <add>, %exp3A, %reduce_sum3A [0] : vector<16x2048xf32> to vector<2048xf32>
    %broadcast_in_dim3A_42 = vector.shape_cast %reduce_sum3A_41 : vector<2048xf32> to vector<1x2048xf32>
    %div3A = vector.broadcast %broadcast_in_dim3A_42 : vector<1x2048xf32> to vector<16x2048xf32>
    %div3A_43 = arith.divf %exp3A, %div3A : vector<16x2048xf32>
    %dot_general3A_44 = arith.constant dense<0.000000e+00> : vector<16x2048xf32>
    %dot_general3A_45 = tpu.matmul %mul3A_35, %div3A_43, %dot_general3A_44 {dimension_numbers = #tpu.dot_dimension_numbers<[1], [0], [0], [1], [0, 0, 1, 1], [], []>, transpose_lhs_hint = false} : vector<16x16xf32>, vector<16x2048xf32>, vector<16x2048xf32> -> vector<16x2048xf32>
    %swap3A = arith.constant 0 : index
    %swap3A_46 = arith.constant 0 : index
    %swap3A_47 = arith.constant 0 : index
    %swap3A_48 = arith.constant 0 : index
    %swap3A_49 = vector.load %arg8[%swap3A, %swap3A_46, %swap3A_47, %swap3A_48] : memref<1x1x16x2048xf32, #tpu.memory_space<vmem>>, vector<1x1x16x2048xf32>
    %swap3A_50 = vector.shape_cast %swap3A_49 : vector<1x1x16x2048xf32> to vector<16x2048xf32>
    %swap3A_51 = vector.shape_cast %dot_general3A_45 : vector<16x2048xf32> to vector<1x1x16x2048xf32>
    tpu.vector_store %arg8[%swap3A, %swap3A_46, %swap3A_47, %swap3A_48], %swap3A_51 {strides = array<i32>} : memref<1x1x16x2048xf32, #tpu.memory_space<vmem>>, vector<1x1x16x2048xf32>,
    return
  }
  func.func @transform_0(%arg0: i32, %arg1: i32) -> (i32, i32, i32) {
    %c0_i32 = arith.constant 0 : i32
    %c0_i32_0 = arith.constant 0 : i32
    %c0_i32_1 = arith.constant 0 : i32
    return %arg0, %c0_i32, %c0_i32_0 : i32, i32, i32
  }
  func.func @transform_1(%arg0: i32, %arg1: i32) -> (i32, i32) {
    %c0_i32 = arith.constant 0 : i32
    %c0_i32_0 = arith.constant 0 : i32
    return %arg1, %c0_i32 : i32, i32
  }
  func.func @transform_2(%arg0: i32, %arg1: i32) -> (i32, i32) {
    %c0_i32 = arith.constant 0 : i32
    %c0_i32_0 = arith.constant 0 : i32
    return %arg1, %c0_i32 : i32, i32
  }
  func.func @transform_3(%arg0: i32, %arg1: i32) -> (i32, i32) {
    %c0_i32 = arith.constant 0 : i32
    %c0_i32_0 = arith.constant 0 : i32
    return %arg1, %c0_i32 : i32, i32
  }
  func.func @transform_4(%arg0: i32, %arg1: i32) -> (i32, i32, i32, i32) {
    %c0_i32 = arith.constant 0 : i32
    %c0_i32_0 = arith.constant 0 : i32
    %c0_i32_1 = arith.constant 0 : i32
    return %arg0, %arg1, %c0_i32, %c0_i32_0 : i32, i32, i32, i32
  }
  func.func @transform_5(%arg0: i32, %arg1: i32) -> (i32, i32, i32, i32) {
    %c0_i32 = arith.constant 0 : i32
    %c0_i32_0 = arith.constant 0 : i32
    %c0_i32_1 = arith.constant 0 : i32
    return %arg0, %arg1, %c0_i32, %c0_i32_0 : i32, i32, i32, i32
  }
  func.func @transform_6(%arg0: i32, %arg1: i32) -> (i32, i32, i32, i32) {
    %c0_i32 = arith.constant 0 : i32
    %c0_i32_0 = arith.constant 0 : i32
    %c0_i32_1 = arith.constant 0 : i32
    return %arg0, %arg1, %c0_i32, %c0_i32_0 : i32, i32, i32, i32
  }
}

</mosaic_0001>

<sc_bundles>
// kernel: kernel.5.cloned.1.call-start
scs
__scs_entry_jumppad:
0x0: {  	(pc) =	sbr.rel $0x88, $3  }
0x1: {  	(tag) =	ssettag $0x0;
	lr =	simm.s32 $0x1  }
0x2: {  	[smem:$0x3F98] =	sst lr;
	_ =	strace $0xD0000000  }
0x3: {  	_ = 	snop  }
0x4: {  	_ = 	snop  }
0x5: {  	_ = 	snop  }
0x6: {  	_ = 	snop  }
0x7: {  	_ = 	snop  }
__scs_overlays_trampoline_lowered:
0x8: {  	[smem:$0x3FA7] =	sst s0  }
0x9: {  	[smem:$0x3FA8] =	sst s1  }
0xa: {  	[smem:$0x3FA9] =	sst s2  }
0xb: {  	[smem:$0x3FAA] =	sst s3  }
0xc: {  	[smem:$0x3FAB] =	sst s4  }
0xd: {  	[smem:$0x3FAC] =	sst s5  }
0xe: {  	[smem:$0x3FAD] =	sst s6  }
0xf: {  	[smem:$0x3FAE] =	sst s7  }
0x10: {  	[smem:$0x3FAF] =	sst s8  }
0x11: {  	[smem:$0x3FB0] =	sst s9;
	s0 =	simm.s32 @!p0 $0x0  }
0x12: {  	s1 =	sld [smem:$0x3F96];
	s0 =	simm.s32 @p0 $0x1  }
0x13: {  	[smem:$0x3FB1] =	sst s0;
	s0 =	simm.s32 @!p1 $0x0  }
0x14: {  	s2 =	sld [smem:$0x3F95];
	s0 =	simm.s32 @p1 $0x1  }
0x15: {  	[smem:$0x3FB2] =	sst s0;
	s0 =	simm.s32 @!p2 $0x0  }
0x16: {  	s3 =	sld [smem:$0x3FDB];
	s0 =	simm.s32 @p2 $0x1  }
0x17: {  	s4 =	simm.s32 $0x1BF5;
	[smem:$0x3FB4] =	sst s0  }
0x18: {  	s0 =	sld [smem:$0x3F97];
	_ =	swait.ge [sflag:s4], $0x0  }
0x19: {  	s7 =	sld [smem:$0x3F98]  }
0x1a: {  	s8 =	sadd.s32 $0xFFFFE003, lr  }
0x1b: {  	s9 =	sadd.s32 $0xFFFFFEF7, lr;
	s5 =	simm.s32 $0xFFFFFFFF;
	p2 =	slt.u32 s8, $0xFFFFF086  }
0x1c: {  	p1 =	slt.u32 s9, $0xF7A;
	s5 =	simm.s32 @!p2 $0x0  }
0x1d: {  	s5 =	simm.s32 @p1 $0x1;
	p0 =	seq.s32 s7, s2  }
0x1e: {  	s7 =	smul.u32 @!p0 $0xF7A, s2;
	p2 =	seq.s32 @!p0 s5, $0x0  }
0x1f: {  	s9 =	smul.u32 $0xF7A, s1;
	s8 =	simm.s32 @!p0 $0x1BF5;
	p2 =	por !p2, p0  }
0x20: {  	[sflag:s8] =	ssyncset.s32 @!p0 $0xFFFFF086;
	s6 =	sadd.s32 @!p0 s3, s7;
	s7 =	simm.s32 @!p0 $0x108  }
0x21: {  	s3 =	sadd.s32 s3, s9;
	s6 =	sadd.s32 @!p0 $0x88, s6;
	s7 =	simm.s32 @p2 $0x1082  }
0x22: {  	[simem:s7], [sflag:s8] =	dma.local @!p0 [hbm:s6], $0xF7A  }
0x23: {  	s9 =	sor.u32 $0xD0000000, s2;
	s6 =	simm.s32 $0x108;
	_ =	swait.ge @!p0 [sflag:s8], $0x0  }
0x24: {  	s3 =	sadd.s32 $0x88, s3;
	s6 =	simm.s32 @!p1 $0x1082;
	[sflag:s4] =	ssyncset.s32 $0xFFFFF086  }
0x25: {  	[simem:s6], [sflag:s4] =	dma.local [hbm:s3], $0xF7A  }
0x26: {  	[smem:$0x3F98] =	sst s1;
	(tag) =	ssettag s2;
	_ =	strace s9  }
0x27: {  	s1 =	sld [smem:$0x3FA8]  }
0x28: {  	s2 =	sld [smem:$0x3FA9]  }
0x29: {  	s4 =	sld [smem:$0x3FAB]  }
0x2a: {  	p0 =	seq.s32 s5, $0x0;
	s5 =	sld [smem:$0x3FAC]  }
0x2b: {  	s6 =	sld [smem:$0x3FAD]  }
0x2c: {  	s7 =	sld [smem:$0x3FAE]  }
0x2d: {  	s3 =	simm.s32 $0x108;
	s8 =	sld [smem:$0x3FAF]  }
0x2e: {  	s3 =	simm.s32 @!p0 $0x1082;
	s9 =	sld [smem:$0x3FB0]  }
0x2f: {  	lr =	sadd.s32 s0, s3;
	s0 =	sld [smem:$0x3FA7]  }
0x30: {  	s3 =	sld [smem:$0x3FAA]  }
0x31: {  	[smem:$0x3FB3] =	sst s10  }
0x32: {  	s10 =	sld [smem:$0x3FB1];
	_ =	sdelay $0x3  }
0x33: {  	p0 =	seq.s32 s10, $0x1;
	s10 =	sld [smem:$0x3FB3];
	_ =	sdelay $0x3  }
0x34: {  	[smem:$0x3FB3] =	sst s10  }
0x35: {  	s10 =	sld [smem:$0x3FB2];
	_ =	sdelay $0x3  }
0x36: {  	p1 =	seq.s32 s10, $0x1;
	s10 =	sld [smem:$0x3FB3];
	_ =	sdelay $0x3  }
0x37: {  	[smem:$0x3FB3] =	sst s10  }
0x38: {  	s10 =	sld [smem:$0x3FB4]  }
0x39: {  	_ = 	snop;
	(pc) =	sbr.ind lr, $3  }
0x3a: {  	_ = 	snop  }
0x3b: {  	_ = 	snop  }
0x3c: {  	p2 =	seq.s32 s10, $0x1;
	s10 =	sld [smem:$0x3FB3]  }
0x3d: {  	_ =	shalt  }
0x3e: {  	_ =	shalt  }
0x3f: {  	_ =	shalt  }
0x40: {  	_ =	shalt  }
0x41: {  	_ =	shalt  }
0x42: {  	_ =	shalt  }
0x43: {  	_ =	shalt  }
0x44: {  	_ =	shalt  }
0x45: {  	_ =	shalt  }
0x46: {  	_ =	shalt  }
0x47: {  	_ =	shalt  }
0x48: {  	_ =	shalt  }
0x49: {  	_ =	shalt  }
0x4a: {  	_ =	shalt  }
0x4b: {  	_ =	shalt  }
0x4c: {  	_ =	shalt  }
0x4d: {  	_ =	shalt  }
0x4e: {  	_ =	shalt  }
0x4f: {  	_ =	shalt  }
0x50: {  	_ =	shalt  }
0x51: {  	_ =	shalt  }
0x52: {  	_ =	shalt  }
0x53: {  	_ =	shalt  }
0x54: {  	_ =	shalt  }
0x55: {  	_ =	shalt  }
0x56: {  	_ =	shalt  }
0x57: {  	_ =	shalt  }
0x58: {  	_ =	shalt  }
0x59: {  	_ =	shalt  }
0x5a: {  	_ =	shalt  }
0x5b: {  	_ =	shalt  }
0x5c: {  	_ =	shalt  }
0x5d: {  	_ =	shalt  }
0x5e: {  	_ =	shalt  }
0x5f: {  	_ =	shalt  }
0x60: {  	_ =	shalt  }
0x61: {  	_ =	shalt  }
0x62: {  	_ =	shalt  }
0x63: {  	_ =	shalt  }
0x64: {  	_ =	shalt  }
0x65: {  	_ =	shalt  }
0x66: {  	_ =	shalt  }
0x67: {  	_ =	shalt  }
0x68: {  	_ =	shalt  }
0x69: {  	_ =	shalt  }
0x6a: {  	_ =	shalt  }
0x6b: {  	_ =	shalt  }
0x6c: {  	_ =	shalt  }
0x6d: {  	_ =	shalt  }
0x6e: {  	_ =	shalt  }
0x6f: {  	_ =	shalt  }
0x70: {  	_ =	shalt  }
0x71: {  	_ =	shalt  }
0x72: {  	_ =	shalt  }
0x73: {  	_ =	shalt  }
0x74: {  	_ =	shalt  }
0x75: {  	_ =	shalt  }
0x76: {  	_ =	shalt  }
0x77: {  	_ =	shalt  }
0x78: {  	_ =	shalt  }
0x79: {  	_ =	shalt  }
0x7a: {  	_ =	shalt  }
0x7b: {  	_ =	shalt  }
0x7c: {  	_ =	shalt  }
0x7d: {  	_ =	shalt  }
0x7e: {  	_ =	shalt  }
0x7f: {  	_ =	shalt  }
0x80: {  	_ =	shalt  }
0x81: {  	_ =	shalt  }
0x82: {  	_ =	shalt  }
0x83: {  	_ =	shalt  }
0x84: {  	_ =	shalt  }
0x85: {  	_ =	shalt  }
0x86: {  	_ =	shalt  }
0x87: {  	_ =	shalt  }
.Lfunc_end0:
.L_simem_size_0:
called_computation_lowered:
.L_overlay_start_0:
0x88: {  	s2 =	sld [smem:$0x3FD9]  }
0x89: {  	s3 =	sld [smem:$0x3FFE];
	_ =	sdelay $0x1  }
0x8a: {  	s1 =	srdreg.scid  }
0x8b: {  	s0 =	sand.u32 $0x1, s1  }
0x8c: {  	s17 =	sshll.u32 s0, $0xA;
	s2 =	sadd.s32 s3, s2  }
0x8d: {  	s2 =	sadd.s32 s2, s17  }
0x8e: {  	[smem:$0x3FBF] =	sst s2  }
0x8f: {  	_ = 	snop  }
0x90: {  	s2 =	sld [smem:$0x3FD0];
	(tm) =	ssettm $0x1  }
0x91: {  	s18 =	sld [smem:$0x3FFB];
	_ =	sdelay $0x3  }
0x92: {  	_ =	strace s18  }
0x93: {  	s3 =	sld [smem:$0x3FFC];
	_ =	sdelay $0x3  }
0x94: {  	_ =	strace s3  }
0x95: {  	s3 =	sld [smem:$0x3FFD];
	_ =	sdelay $0x3  }
0x96: {  	_ =	strace s3  }
0x97: {  	_ =	strace $0x8FFFFFFF  }
0x98: {  	s19 =	sld [smem:$0x3FDB];
	_ =	sdelay $0x1  }
0x99: {  	s4 =	simm.s32 $_scs_section_size  }
0x9a: {  	s5 =	simm.s32 $_size__tile_overlayer_lowered;
	s6 =	simm.s32 $_tile_overlayer_lowered  }
0x9b: {  	s22 =	simm.s32 $0x1BFF;
	s21 =	sshll.u32 s6, $0x1;
	s3 =	sadd.s32 s4, s19  }
0x9c: {  	s7 =	simm.s32 $0x0;
	s20 =	sshll.u32 s5, $0x1;
	s5 =	sadd.s32 s21, s3  }
0x9d: {  	[timem:s7], [sflag:s22] =	dma.local [hbm:s5], s20  }
0x9e: {  	_ =	swait.ge [sflag:s22], s20  }
0x9f: {  	s4 =	ssub.s32 $0x0, s20;
	[sflag:s22] =	ssyncset.done $0x0  }
0xa0: {  	[sflag:s22] =	ssyncadd.s32 s4;
	_ =	sdelay $0x1  }
0xa1: {  	s23 =	simm.s32 $0x1B8B  }
0xa2: {  	_ =	swait.ge [sflag:s23], $0x1  }
0xa3: {  	[sflag:s23] =	ssyncset.done $0x0  }
0xa4: {  	s25 =	simm.s32 $0x1B8E;
	s24 =	sld [smem:$0x3FFE];
	[sflag:s23] =	ssyncadd.s32 $0xFFFFFFFF  }
0xa5: {  	s26 =	simm.s32 $execute0_lowered;
	[smem:$0x3FD2] =	sst s25  }
0xa6: {  	s5 =	sshll.u32 s26, $0x1;
	_ =	strace $0x80000046;
	[dreg:$0x1] =	wrdreg $0xFFFFFFFF  }
0xa7: {  	s28 =	simm.s32 $_size_execute0_lowered;
	s3 =	sadd.s32 s3, s5;
	[dreg:$0x0] =	wrdreg $0x0  }
0xa8: {  	s5 =	sshll.u32 s28, $0x1;
	[dreg:$0x2] =	wrdreg s3  }
0xa9: {  	[dreg:$0x3] =	wrdreg s5  }
0xaa: {  	[dreg:$0x4] =	wrdreg $0xC0  }
0xab: {  	_ =	task [dreg:s7], $0x5FFFF  }
0xac: {  	[dreg:$0x1] =	wrdreg $0xFFFFFFFF  }
0xad: {  	[dreg:$0x0] =	wrdreg $0x60  }
0xae: {  	[dreg:$0x2] =	wrdreg s2  }
0xaf: {  	[dreg:$0x3] =	wrdreg s24  }
0xb0: {  	[dreg:$0x4] =	wrdreg $0xD1000  }
0xb1: {  	[dreg:$0x5] =	wrdreg $0x9  }
0xb2: {  	_ =	task.clear_ibuf [dreg:s7], $0x6FFFF;
	_ =	strace $0x90000046  }
0xb3: {  	s29 =	simm.s32 $0x9;
	_ =	strace $0x80000048  }
0xb4: {  	_ =	swait.ge [sflag:s29], $0x1  }
0xb5: {  	[sflag:s29] =	ssyncadd.s32 $0xFFFFFFFF  }
0xb6: {  	_ =	strace $0x90000048  }
0xb7: {  	_ =	sfence  }
0xb8: {  	s30 =	sld [smem:$0x0];
	_ =	sdelay $0x2  }
0xb9: {  	s31 =	sshll.u32 s1, $0xD;
	s1 =	sshrl.u32 s1, $0x2  }
0xba: {  	s3 =	sand.u32 $0x4000, s31;
	s1 =	sadd.s32 s1, s30  }
0xbb: {  	s0 =	sor.u32 s3, s0;
	s1 =	sshll.u32 s1, $0x11  }
0xbc: {  	s0 =	sor.u32 s1, s0  }
0xbd: {  	s0 =	sadd.s32 $0x8F2B, s0  }
0xbe: {  	[sflag:s0] =	ssyncadd.remote.s32 $0x1  }
0xbf: {  	_ =	sfence.sel $0xFFFF  }
0xc0: {  	[dreg:$0x0] =	wrdreg $0xFFFFFFFF;
	(pc) =	sbr.abs _section_cstart, $3  }
0xc1: {  	[dreg:$0x1] =	wrdreg $0xFFFFFFFF  }
0xc2: {  	_ =	task.clear_ibuf [dreg:s7], $0x2FFFF;
	_ =	strace $0x9FFFFFFF  }
0xc3: {  	(tm) =	ssettm $0x7FFFFFFF  }
tec
execute0_lowered:
.L_overlay_start_1:
0x0: {  	(tag) =	ssettag $0x1  }
0x1: {  	s0 =	rddreg [dreg:$0x0]  }
0x2: {  	s1 =	rddreg [dreg:$0x1]  }
0x3: {  	s7 =	rddreg [dreg:$0x2];
	s14 =	stileid.u32  }
0x4: {  	s2 =	simm.s32 $0x0;
	s3 =	srdreg.scid;
	s8 =	sand.u32 $0x3, s14  }
0x5: {  	[smem:$0x7FF] =	sst s2;
	s3 =	sand.u32 $0x1, s3;
	s9 =	sshrl.u32 s14, $0x2  }
0x6: {  	s15 =	sshll.u32 s14, $0xB;
	s16 =	sshll.u32 s14, $0x7;
	s4 =	sshll.u32 s8, $0xB  }
0x7: {  	s5 =	sshll.u32 s3, $0x4;
	s6 =	sshll.u32 s3, $0x2;
	_ =	strace $0x80000047  }
0x8: {  	s10 =	sshll.u32 s8, $0xD;
	s3 =	ssub.s32 $0x2, s3;
	s9 =	sor.u32 s9, s6  }
0x9: {  	s17 =	sand.u32 $0x200, s16;
	s4 =	sor.u32 s5, s4;
	s25 =	sshll.u32 s9, $0x4  }
0xa: {  	s11 =	sshrl.u32 s3, $0x1;
	s4 =	sadd.s32 s4, s1;
	s26 =	sor.u32 s10, s25  }
0xb: {  	s13 =	ssub.s32 s3, s11;
	s12 =	sadd.s32 s26, s1;
	s1 =	sadd.s32 s25, s1  }
0xc: {  	s3 =	sadd.s32 s0, s26;
	s0 =	sand.u32 $0x4000, s15;
	s22 =	sadd.s32 $0x14000, s1  }
0xd: {  	s0 =	sadd.s32 s0, s7;
	s23 =	sadd.s32 $0x14200, s1;
	[dreg:$0x7] =	wrdreg s22  }
0xe: {  	s24 =	sadd.s32 $0x13800, s1;
	s15 =	sadd.s32 s17, s0;
	[dreg:$0x8] =	wrdreg s23  }
0xf: {  	[dreg:$0x9] =	wrdreg s24;
	s19 =	sadd.s32 $0x80, s15  }
0x10: {  	s20 =	sadd.s32 $0x100, s15;
	[dreg:$0x4] =	wrdreg s19  }
0x11: {  	s21 =	sadd.s32 $0x180, s15;
	[dreg:$0x5] =	wrdreg s20  }
0x12: {  	s25 =	sadd.s32 $0x480, s15;
	[dreg:$0x6] =	wrdreg s21  }
0x13: {  	s26 =	sadd.s32 $0x880, s15;
	[dreg:$0xa] =	wrdreg s25  }
0x14: {  	s9 =	sshll.u32 s9, $0xF;
	s1 =	sadd.s32 $0xC80, s15;
	[dreg:$0xb] =	wrdreg s26  }
0x15: {  	s11 =	sor.u32 s10, s9;
	s9 =	sadd.s32 $0x1080, s15;
	[dreg:$0xc] =	wrdreg s1  }
0x16: {  	s5 =	sadd.s32 $0x9800, s12;
	s10 =	sadd.s32 $0x1480, s15;
	[dreg:$0xd] =	wrdreg s9  }
0x17: {  	s6 =	sadd.s32 $0x1800, s12;
	s12 =	sadd.s32 $0x1880, s15;
	[dreg:$0xe] =	wrdreg s10  }
0x18: {  	s14 =	smax.u32 s13, $0x1;
	s13 =	sadd.s32 $0x1C80, s15;
	[dreg:$0xf] =	wrdreg s12  }
0x19: {  	s18 =	sand.u32 $0x380, s16;
	s16 =	sadd.s32 $0x2080, s15;
	[dreg:$0x10] =	wrdreg s13  }
0x1a: {  	s17 =	sadd.s32 $0x2480, s15;
	[dreg:$0x11] =	wrdreg s16  }
0x1b: {  	s7 =	sadd.s32 s18, s0;
	s18 =	sadd.s32 $0x2880, s15;
	[dreg:$0x12] =	wrdreg s17  }
0x1c: {  	s22 =	sadd.s32 $0x3880, s15;
	[dreg:$0x13] =	wrdreg s18  }
0x1d: {  	s23 =	sadd.s32 $0x3C80, s15;
	[dreg:$0x17] =	wrdreg s22  }
0x1e: {  	s24 =	sadd.s32 $0x500, s15;
	[dreg:$0x18] =	wrdreg s23  }
0x1f: {  	p0 =	sne.s32 s8, $0x0;
	s8 =	sadd.s32 $0x1500, s15;
	[dreg:$0x19] =	wrdreg s24  }
0x20: {  	s19 =	sadd.s32 $0x2C80, s15;
	[dreg:$0x1d] =	wrdreg s8  }
0x21: {  	s20 =	sadd.s32 $0x3080, s15;
	[dreg:$0x14] =	wrdreg s19  }
0x22: {  	s21 =	sadd.s32 $0x3480, s15;
	[dreg:$0x15] =	wrdreg s20  }
0x23: {  	s25 =	sadd.s32 $0x900, s15;
	[dreg:$0x16] =	wrdreg s21  }
0x24: {  	s26 =	sadd.s32 $0xD00, s15;
	[dreg:$0x1a] =	wrdreg s25  }
0x25: {  	s1 =	sadd.s32 $0x1100, s15;
	[dreg:$0x1b] =	wrdreg s26  }
0x26: {  	s9 =	sadd.s32 $0x1900, s15;
	[dreg:$0x1c] =	wrdreg s1  }
0x27: {  	s10 =	sadd.s32 $0x1D00, s15;
	[dreg:$0x1e] =	wrdreg s9  }
0x28: {  	s12 =	sadd.s32 $0x2100, s15;
	[dreg:$0x1f] =	wrdreg s10  }
0x29: {  	s13 =	sadd.s32 $0x2500, s15;
	[smem:$0x7E0] =	sst s12  }
0x2a: {  	s16 =	sadd.s32 $0x2900, s15;
	[smem:$0x7E1] =	sst s13  }
0x2b: {  	s17 =	sadd.s32 $0x2D00, s15;
	[smem:$0x7E2] =	sst s16  }
0x2c: {  	s18 =	sadd.s32 $0x3100, s15;
	[smem:$0x7E3] =	sst s17  }
0x2d: {  	s22 =	sadd.s32 $0x580, s15;
	[smem:$0x7E4] =	sst s18  }
0x2e: {  	s23 =	sadd.s32 $0x980, s15;
	[smem:$0x7E8] =	sst s22  }
0x2f: {  	s24 =	sadd.s32 $0xD80, s15;
	[smem:$0x7E9] =	sst s23  }
0x30: {  	s8 =	sadd.s32 $0x1D80, s15;
	[smem:$0x7EA] =	sst s24  }
0x31: {  	s19 =	sadd.s32 $0x3500, s15;
	[smem:$0x7EE] =	sst s8  }
0x32: {  	s20 =	sadd.s32 $0x3900, s15;
	[smem:$0x7E5] =	sst s19  }
0x33: {  	s21 =	sadd.s32 $0x3D00, s15;
	[smem:$0x7E6] =	sst s20  }
0x34: {  	s25 =	sadd.s32 $0x1180, s15;
	[smem:$0x7E7] =	sst s21  }
0x35: {  	s26 =	sadd.s32 $0x1580, s15;
	[smem:$0x7EB] =	sst s25  }
0x36: {  	s1 =	sadd.s32 $0x1980, s15;
	[smem:$0x7EC] =	sst s26  }
0x37: {  	s28 =	simm.s32 $0x80;
	s9 =	sadd.s32 $0x2180, s15;
	[smem:$0x7ED] =	sst s1  }
0x38: {  	s29 =	simm.s32 $0x400;
	s10 =	sadd.s32 $0x2580, s15;
	[smem:$0x7EF] =	sst s9  }
0x39: {  	s30 =	simm.s32 $0x2000;
	s12 =	sadd.s32 $0x2980, s15;
	[smem:$0x7F0] =	sst s10  }
0x3a: {  	s31 =	simm.s32 $0x1;
	s13 =	sadd.s32 $0x2D80, s15;
	[smem:$0x7F1] =	sst s12  }
0x3b: {  	s4 =	sadd.s32 $0x11800, s4;
	s16 =	sadd.s32 $0x3180, s15;
	[smem:$0x7F2] =	sst s13  }
0x3c: {  	v0 =	vmov s11;
	s11 =	simm.s32 $0x0;
	s17 =	sadd.s32 $0x3580, s15;
	[smem:$0x7F3] =	sst s16  }
0x3d: {  	s0 =	simm.s32 $0x100;
	s18 =	sadd.s32 $0x3980, s15;
	[smem:$0x7F4] =	sst s17  }
0x3e: {  	s22 =	sadd.s32 $0xC00, s7;
	s23 =	sadd.s32 $0x1000, s7;
	[smem:$0x7F5] =	sst s18  }
0x3f: {  	s24 =	sadd.s32 $0x1400, s7;
	s8 =	simm.s32 $0x6000;
	[smem:$0x7F9] =	sst s22  }
0x40: {  	s19 =	sadd.s32 $0x3D80, s15;
	s20 =	sadd.s32 $0x400, s7;
	[smem:$0x7FA] =	sst s23  }
0x41: {  	s21 =	sadd.s32 $0x800, s7;
	[smem:$0x7FB] =	sst s24;
	s25 =	sadd.s32 $0x1800, s7  }
0x42: {  	s26 =	sadd.s32 $0x1C00, s7;
	s22 =	sadd.s32 $0x2C00, s7;
	[smem:$0x7F6] =	sst s19  }
.Ltmp0:
0x43: {  	s23 =	sadd.s32 $0x3000, s7;
	[smem:$0x7F7] =	sst s20;
	(pc) =	sbr.rel .LBB2_1-.Ltmp0, $4  }
0x44: {  	s24 =	sadd.s32 $0x3400, s7;
	s1 =	simm.s32 $0x4000;
	[smem:$0x7F8] =	sst s21  }
0x45: {  	s9 =	simm.s32 $0x8000;
	s10 =	simm.s32 $0xA000;
	[smem:$0x7FC] =	sst s25  }
0x46: {  	[smem:$0x7FD] =	sst s26;
	s19 =	sadd.s32 $0x2000, s7;
	s20 =	sadd.s32 $0x2400, s7  }
0x47: {  	v1 =	vimm.f32 $0.0e+00;
	s21 =	sadd.s32 $0x2800, s7;
	s25 =	sadd.s32 $0x3800, s7;
	s26 =	sadd.s32 $0x3C00, s7  }
.LBB2_10:
0x48: {  	v4 =	vadd.f32 v4, v5  }
0x49: {  	v5, v6, _ =	vpop @p1 (xrf1)  }
0x4a: {  	v2 =	vpsel p1, v5, v2;
	(xrf0) =	vmax.scan.msk.f32 $0xffff, v4  }
0x4b: {  	(xrf0) =	vmin.scan.msk.f32 $0xffff, v2;
	_ =	sdelay $0x4  }
0x4c: {  	v62, _, _ =	vpop (xrf0)  }
0x4d: {  	(v2sf) =	vpush v62, $0xF;
	v63, _, _ =	vpop (xrf0)  }
0x4e: {  	(v2sf) =	vpush v63, $0xF;
	_ =	sdelay $0xd  }
0x4f: {  	s15 =	spop (v2sf)  }
0x50: {  	s16 =	spop (v2sf)  }
0x51: {  	p2 =	sgt.f32 s15, s16;
	_ =	sdelay $0x1  }
0x52: {  	v5 =	vlaneseq.u32 @p2  }
0x53: {  	v5 =	vor.u32 @p2 s13, v5  }
0x54: {  	(xrf1) =	vsort.ascd.msk.f32 @p2 $0xffff, v4, v5;
	_ =	sdelay $0xd  }
0x55: {  	v5, v7, _ =	vpop @p2 (xrf1)  }
0x56: {  	v3 =	vpsel p1, v6, v3;
	vm0 =	vge.f32 @p2 v2, v5  }
0x57: {  	v5 =	vsel @p2 vm0, v2, v5;
	v6 =	vsel @p2 vm0, v3, v7  }
0x58: {  	(xrf1) =	vsort.dscd.msk.f32 @p2 $0xffff, v5, v6;
	_ =	sdelay $0xd  }
0x59: {  	s12 =	sshra.s32 s12, $0x2;
	v5, v6, _ =	vpop @p2 (xrf1)  }
0x5a: {  	[tilespmem:s12+$0xC900] =	vst v4;
	v2 =	vpsel p2, v5, v2  }
0x5b: {  	v3 =	vpsel p2, v6, v3;
	[tilespmem:$0xC800] =	vst v2  }
0x5c: {  	s17 =	rddreg [dreg:$0x7];
	s18 =	simm.s32 $0xC800;
	[tilespmem:$0xC880] =	vst v3  }
0x5d: {  	[hbm4b:s17+s2] =	stream.linear.scatter [tilespmem:s18], [sflag:$0x1], $0x80, $0x38;
	[tilespmem:$0xD900] =	vst v63  }
0x5e: {  	_ =	swait.ge [sflag:s31], $0x80  }
0x5f: {  	[sflag:s31] =	ssyncset.done $0x0  }
0x60: {  	s16 =	simm.s32 $0xC880;
	s15 =	rddreg [dreg:$0x8];
	[sflag:s31] =	ssyncadd.s32 $0xFFFFFF80  }
0x61: {  	[hbm4b:s15+s2] =	stream.linear.scatter [tilespmem:s16], [sflag:$0x1], $0x80, $0x38;
	[tilespmem:$0xD900] =	vst v63  }
0x62: {  	_ =	swait.ge [sflag:s31], $0x80  }
0x63: {  	[sflag:s31] =	ssyncset.done $0x0  }
0x64: {  	s18 =	simm.s32 $0xC900;
	s17 =	rddreg [dreg:$0x9];
	[sflag:s31] =	ssyncadd.s32 $0xFFFFFF80  }
0x65: {  	[hbm4b:s17+s28] =	stream.strided.scatter [tilespmem:s18], [sflag:$0x1], $0x800, s29, s28, $0x38;
	[tilespmem:$0xD900] =	vst v63  }
0x66: {  	_ =	swait.ge [sflag:s31], $0x800  }
0x67: {  	[sflag:s31] =	ssyncset.done $0x0  }
0x68: {  	[sflag:s31] =	ssyncadd.s32 $0xFFFFF800  }
.LBB2_11:
0x69: {  	s11 =	sadd.s32 $0x1, s11  }
0x6a: {  	p1 =	sne.s32 s11, s14  }
.Ltmp1:
0x6b: {  	_ = 	snop;
	(pc) =	sbr.rel @!p1 .LBB2_12-.Ltmp1, $1  }
0x6c: {  	_ =	sdelay $0x3  }
.LBB2_1:
0x6d: {  	[tilespmem:s30], [sflag:$0x1] =	stream.strided.gather [hbm4b:s3+s28], $0x2000, s29, s28, $0x38;
	[tilespmem:$0xD900] =	vst v63  }
0x6e: {  	_ =	swait.ge [sflag:s31], $0x2000  }
0x6f: {  	[sflag:s31] =	ssyncset.done $0x0  }
0x70: {  	[sflag:s31] =	ssyncadd.s32 $0xFFFFE000  }
0x71: {  	[tilespmem:s2], [sflag:$0x1] =	stream.strided.gather [hbm4b:s4+s28], $0x2000, s0, s28, $0x38;
	[tilespmem:$0xD900] =	vst v63  }
0x72: {  	_ =	swait.ge [sflag:s31], $0x2000  }
0x73: {  	[sflag:s31] =	ssyncset.done $0x0  }
0x74: {  	[sflag:s31] =	ssyncadd.s32 $0xFFFFE000  }
0x75: {  	[tilespmem:s1], [sflag:$0x1] =	stream.strided.gather [hbm4b:s5+s28], $0x2000, s29, s28, $0x38;
	[tilespmem:$0xD900] =	vst v63  }
0x76: {  	_ =	swait.ge [sflag:s31], $0x2000  }
0x77: {  	[sflag:s31] =	ssyncset.done $0x0  }
0x78: {  	[sflag:s31] =	ssyncadd.s32 $0xFFFFE000  }
0x79: {  	[tilespmem:s8], [sflag:$0x1] =	stream.strided.gather [hbm4b:s6+s28], $0x2000, s29, s28, $0x38;
	[tilespmem:$0xD900] =	vst v63  }
0x7a: {  	_ =	swait.ge [sflag:s31], $0x2000  }
0x7b: {  	[sflag:s31] =	ssyncset.done $0x0  }
0x7c: {  	s12 =	simm.s32 $0x40;
	s13 =	simm.s32 $0x0;
	[sflag:s31] =	ssyncadd.s32 $0xFFFFE000  }
.LBB2_2:
0x7d: {  	p1 =	sne.s32 s12, $0x1FC0;
	[tilespmem:s13+$0xA000] =	vst v1;
	s13 =	smov.u32 s12;
	s12 =	sadd.s32 $0x40, s12  }
.Ltmp2:
0x7e: {  	(pc) =	sbr.rel @p1 .LBB2_2-.Ltmp2, $2  }
0x7f: {  	_ =	sdelay $0x2  }
0x80: {  	s13 =	sshra.s32 s13, $0x2  }
0x81: {  	[tilespmem:s13+$0xA000] =	vst v1;
	s13 =	simm.s32 $0x0;
	s12 =	simm.s32 $0x40  }
.LBB2_4:
0x82: {  	p1 =	sne.s32 s12, $0x7FC0;
	v2 =	vld [tilespmem:s13+$0x4000];
	_ =	sdelay $0x4  }
0x83: {  	v3 =	vsub.s32 v2, v0  }
0x84: {  	v2 =	vand.u32 $0x7F, v2;
	v3 =	vand.u32 $0xFFFFFF80, v3  }
0x85: {  	v4 =	vld [tilespmem:s13+$0x6000];
	v2 =	vor.u32 v2, v3  }
.Ltmp3:
0x86: {  	(pc) =	sbr.rel @p1 .LBB2_4-.Ltmp3, $2  }
0x87: {  	_ =	sdelay $0x2  }
0x88: {  	s13 =	sshra.s32 s12, $0x2;
	s12 =	sadd.s32 $0x40, s12;
	[tilespmem:v2+s9+$0x0] =	vst.idx.msk $0xffff, v4  }
0x89: {  	v2 =	vld [tilespmem:s13+$0x4000];
	_ =	sdelay $0x4  }
0x8a: {  	v3 =	vsub.s32 v2, v0  }
0x8b: {  	v2 =	vand.u32 $0x7F, v2;
	v3 =	vand.u32 $0xFFFFFF80, v3  }
0x8c: {  	v4 =	vld [tilespmem:s13+$0x6000];
	v2 =	vor.u32 v2, v3;
	_ =	sdelay $0x4  }
0x8d: {  	s13 =	simm.s32 $0x0;
	s12 =	simm.s32 $0x40;
	[tilespmem:v2+s9+$0x0] =	vst.idx.msk $0xffff, v4  }
.LBB2_6:
0x8e: {  	p1 =	sne.s32 s12, $0x7FC0;
	v2 =	vld [tilespmem:s13+$0x8000];
	_ =	sdelay $0x2  }
0x8f: {  	v3 =	vld [tilespmem:s13+$0x0];
	_ =	sdelay $0x1  }
0x90: {  	vm0 =	vne.s32 v2, $0x0  }
0x91: {  	v2 =	vld [tilespmem:s13+$0x2000]  }
.Ltmp4:
0x92: {  	(pc) =	sbr.rel @p1 .LBB2_6-.Ltmp4, $2  }
0x93: {  	_ =	sdelay $0x2  }
0x94: {  	s13 =	sshra.s32 s12, $0x2;
	s12 =	sadd.s32 $0x40, s12;
	[tilespmem:v3+s10+$0x0] =	vst.idx.add.f32.msk vm0, v2  }
0x95: {  	v2 =	vld [tilespmem:s13+$0x8000];
	_ =	sdelay $0x2  }
0x96: {  	v3 =	vld [tilespmem:s13+$0x0];
	_ =	sdelay $0x1  }
0x97: {  	vm0 =	vne.s32 v2, $0x0  }
0x98: {  	v2 =	vld [tilespmem:s13+$0x2000];
	_ =	sdelay $0x4  }
0x99: {  	[tilespmem:v3+s10+$0x0] =	vst.idx.add.f32.msk vm0, v2  }
0x9a: {  	[spmem:s7] =	stream.strided.scatter [tilespmem:s10], [sflag:$0x1], $0x800, s29, s28, $0x38;
	[tilespmem:$0xD900] =	vst v63  }
.Ltmp5:
0x9b: {  	_ =	swait.ge [sflag:s31], $0x800;
	(pc) =	sbr.rel @p0 .LBB2_11-.Ltmp5, $3  }
0x9c: {  	[sflag:s31] =	ssyncset.done $0x0  }
0x9d: {  	[sflag:s31] =	ssyncadd.s32 $0xFFFFF800  }
0x9e: {  	[bflag:$0x0] =	sbarrier.arrive $0xFFFF;
	_ =	sdelay $0x1  }
0x9f: {  	s12 =	simm.s32 $0xA800;
	s16 =	sld [smem:$0x7F7]  }
0xa0: {  	[tilespmem:s12], [sflag:$0x1] =	stream.linear.gather [spmem:s7], $0x80, $0x38;
	[tilespmem:$0xD900] =	vst v63  }
0xa1: {  	s13 =	simm.s32 $0xAA00;
	s17 =	sld [smem:$0x7F8]  }
0xa2: {  	[tilespmem:s13], [sflag:$0x1] =	stream.linear.gather [spmem:s16], $0x80, $0x38;
	[tilespmem:$0xD900] =	vst v63  }
0xa3: {  	s18 =	simm.s32 $0xAC00;
	s15 =	sld [smem:$0x7F9]  }
0xa4: {  	[tilespmem:s18], [sflag:$0x1] =	stream.linear.gather [spmem:s17], $0x80, $0x38;
	[tilespmem:$0xD900] =	vst v63  }
0xa5: {  	s16 =	simm.s32 $0xAE00;
	s17 =	sld [smem:$0x7FA]  }
0xa6: {  	[tilespmem:s16], [sflag:$0x1] =	stream.linear.gather [spmem:s15], $0x80, $0x38;
	[tilespmem:$0xD900] =	vst v63  }
0xa7: {  	s18 =	simm.s32 $0xB000;
	s15 =	sld [smem:$0x7FB]  }
0xa8: {  	[tilespmem:s18], [sflag:$0x1] =	stream.linear.gather [spmem:s17], $0x80, $0x38;
	[tilespmem:$0xD900] =	vst v63  }
0xa9: {  	s16 =	simm.s32 $0xB200;
	s17 =	sld [smem:$0x7FC]  }
0xaa: {  	[tilespmem:s16], [sflag:$0x1] =	stream.linear.gather [spmem:s15], $0x80, $0x38;
	[tilespmem:$0xD900] =	vst v63  }
0xab: {  	s18 =	simm.s32 $0xB400;
	s15 =	sld [smem:$0x7FD]  }
0xac: {  	[tilespmem:s18], [sflag:$0x1] =	stream.linear.gather [spmem:s17], $0x80, $0x38;
	[tilespmem:$0xD900] =	vst v63  }
0xad: {  	s16 =	simm.s32 $0xB600  }
0xae: {  	[tilespmem:s16], [sflag:$0x1] =	stream.linear.gather [spmem:s15], $0x80, $0x38;
	[tilespmem:$0xD900] =	vst v63  }
0xaf: {  	s17 =	simm.s32 $0xB800  }
0xb0: {  	[tilespmem:s17], [sflag:$0x1] =	stream.linear.gather [spmem:s19], $0x80, $0x38;
	[tilespmem:$0xD900] =	vst v63  }
0xb1: {  	s18 =	simm.s32 $0xBA00  }
0xb2: {  	[tilespmem:s18], [sflag:$0x1] =	stream.linear.gather [spmem:s20], $0x80, $0x38;
	[tilespmem:$0xD900] =	vst v63  }
0xb3: {  	s13 =	simm.s32 $0xBC00  }
0xb4: {  	[tilespmem:s13], [sflag:$0x1] =	stream.linear.gather [spmem:s21], $0x80, $0x38;
	[tilespmem:$0xD900] =	vst v63  }
0xb5: {  	s15 =	simm.s32 $0xBE00  }
0xb6: {  	[tilespmem:s15], [sflag:$0x1] =	stream.linear.gather [spmem:s22], $0x80, $0x38;
	[tilespmem:$0xD900] =	vst v63  }
0xb7: {  	s16 =	simm.s32 $0xC000  }
0xb8: {  	[tilespmem:s16], [sflag:$0x1] =	stream.linear.gather [spmem:s23], $0x80, $0x38;
	[tilespmem:$0xD900] =	vst v63  }
0xb9: {  	s17 =	simm.s32 $0xC200  }
0xba: {  	[tilespmem:s17], [sflag:$0x1] =	stream.linear.gather [spmem:s24], $0x80, $0x38;
	[tilespmem:$0xD900] =	vst v63  }
0xbb: {  	s18 =	simm.s32 $0xC400  }
0xbc: {  	[tilespmem:s18], [sflag:$0x1] =	stream.linear.gather [spmem:s25], $0x80, $0x38;
	[tilespmem:$0xD900] =	vst v63  }
0xbd: {  	s13 =	simm.s32 $0xC600  }
0xbe: {  	[tilespmem:s13], [sflag:$0x1] =	stream.linear.gather [spmem:s26], $0x80, $0x38;
	[tilespmem:$0xD900] =	vst v63  }
0xbf: {  	_ =	swait.ge [sflag:s31], $0x800  }
0xc0: {  	[sflag:s31] =	ssyncset.done $0x0  }
0xc1: {  	s16 =	simm.s32 $0xA880;
	s15 =	rddreg [dreg:$0x4];
	[sflag:s31] =	ssyncadd.s32 $0xFFFFF800  }
0xc2: {  	[tilespmem:s16], [sflag:$0x1] =	stream.linear.gather [spmem:s15], $0x80, $0x38;
	[tilespmem:$0xD900] =	vst v63  }
0xc3: {  	s18 =	simm.s32 $0xAA80;
	s17 =	rddreg [dreg:$0xa]  }
0xc4: {  	[tilespmem:s18], [sflag:$0x1] =	stream.linear.gather [spmem:s17], $0x80, $0x38;
	[tilespmem:$0xD900] =	vst v63  }
0xc5: {  	s15 =	rddreg [dreg:$0xb];
	s16 =	simm.s32 $0xAC80  }
0xc6: {  	[tilespmem:s16], [sflag:$0x1] =	stream.linear.gather [spmem:s15], $0x80, $0x38;
	[tilespmem:$0xD900] =	vst v63  }
0xc7: {  	s17 =	rddreg [dreg:$0xc];
	s18 =	simm.s32 $0xAE80  }
0xc8: {  	[tilespmem:s18], [sflag:$0x1] =	stream.linear.gather [spmem:s17], $0x80, $0x38;
	[tilespmem:$0xD900] =	vst v63  }
0xc9: {  	s15 =	rddreg [dreg:$0xd];
	s16 =	simm.s32 $0xB080  }
0xca: {  	[tilespmem:s16], [sflag:$0x1] =	stream.linear.gather [spmem:s15], $0x80, $0x38;
	[tilespmem:$0xD900] =	vst v63  }
0xcb: {  	s17 =	rddreg [dreg:$0xe];
	s18 =	simm.s32 $0xB280  }
0xcc: {  	[tilespmem:s18], [sflag:$0x1] =	stream.linear.gather [spmem:s17], $0x80, $0x38;
	[tilespmem:$0xD900] =	vst v63  }
0xcd: {  	s15 =	rddreg [dreg:$0xf];
	s16 =	simm.s32 $0xB480  }
0xce: {  	[tilespmem:s16], [sflag:$0x1] =	stream.linear.gather [spmem:s15], $0x80, $0x38;
	[tilespmem:$0xD900] =	vst v63  }
0xcf: {  	s17 =	rddreg [dreg:$0x10];
	s18 =	simm.s32 $0xB680  }
0xd0: {  	[tilespmem:s18], [sflag:$0x1] =	stream.linear.gather [spmem:s17], $0x80, $0x38;
	[tilespmem:$0xD900] =	vst v63  }
0xd1: {  	s15 =	rddreg [dreg:$0x11];
	s16 =	simm.s32 $0xB880  }
0xd2: {  	[tilespmem:s16], [sflag:$0x1] =	stream.linear.gather [spmem:s15], $0x80, $0x38;
	[tilespmem:$0xD900] =	vst v63  }
0xd3: {  	s17 =	rddreg [dreg:$0x12];
	s18 =	simm.s32 $0xBA80  }
0xd4: {  	[tilespmem:s18], [sflag:$0x1] =	stream.linear.gather [spmem:s17], $0x80, $0x38;
	[tilespmem:$0xD900] =	vst v63  }
0xd5: {  	s15 =	rddreg [dreg:$0x13];
	s16 =	simm.s32 $0xBC80  }
0xd6: {  	[tilespmem:s16], [sflag:$0x1] =	stream.linear.gather [spmem:s15], $0x80, $0x38;
	[tilespmem:$0xD900] =	vst v63  }
0xd7: {  	s17 =	rddreg [dreg:$0x14];
	s18 =	simm.s32 $0xBE80  }
0xd8: {  	[tilespmem:s18], [sflag:$0x1] =	stream.linear.gather [spmem:s17], $0x80, $0x38;
	[tilespmem:$0xD900] =	vst v63  }
0xd9: {  	s15 =	rddreg [dreg:$0x15];
	s16 =	simm.s32 $0xC080  }
0xda: {  	[tilespmem:s16], [sflag:$0x1] =	stream.linear.gather [spmem:s15], $0x80, $0x38;
	[tilespmem:$0xD900] =	vst v63  }
0xdb: {  	s17 =	rddreg [dreg:$0x16];
	s18 =	simm.s32 $0xC280  }
0xdc: {  	[tilespmem:s18], [sflag:$0x1] =	stream.linear.gather [spmem:s17], $0x80, $0x38;
	[tilespmem:$0xD900] =	vst v63  }
0xdd: {  	s15 =	rddreg [dreg:$0x17];
	s16 =	simm.s32 $0xC480  }
0xde: {  	[tilespmem:s16], [sflag:$0x1] =	stream.linear.gather [spmem:s15], $0x80, $0x38;
	[tilespmem:$0xD900] =	vst v63  }
0xdf: {  	s17 =	rddreg [dreg:$0x18];
	s18 =	simm.s32 $0xC680  }
0xe0: {  	[tilespmem:s18], [sflag:$0x1] =	stream.linear.gather [spmem:s17], $0x80, $0x38;
	[tilespmem:$0xD900] =	vst v63  }
0xe1: {  	_ =	swait.ge [sflag:s31], $0x800  }
0xe2: {  	[sflag:s31] =	ssyncset.done $0x0;
	s15 =	rddreg [dreg:$0x5]  }
0xe3: {  	s16 =	simm.s32 $0xA900;
	s17 =	rddreg [dreg:$0x19];
	[sflag:s31] =	ssyncadd.s32 $0xFFFFF800  }
0xe4: {  	[tilespmem:s16], [sflag:$0x1] =	stream.linear.gather [spmem:s15], $0x80, $0x38;
	[tilespmem:$0xD900] =	vst v63  }
0xe5: {  	s18 =	simm.s32 $0xAB00;
	s15 =	rddreg [dreg:$0x1a]  }
0xe6: {  	[tilespmem:s18], [sflag:$0x1] =	stream.linear.gather [spmem:s17], $0x80, $0x38;
	[tilespmem:$0xD900] =	vst v63  }
0xe7: {  	s16 =	simm.s32 $0xAD00;
	s17 =	rddreg [dreg:$0x1b]  }
0xe8: {  	[tilespmem:s16], [sflag:$0x1] =	stream.linear.gather [spmem:s15], $0x80, $0x38;
	[tilespmem:$0xD900] =	vst v63  }
0xe9: {  	s18 =	simm.s32 $0xAF00;
	s15 =	rddreg [dreg:$0x1c]  }
0xea: {  	[tilespmem:s18], [sflag:$0x1] =	stream.linear.gather [spmem:s17], $0x80, $0x38;
	[tilespmem:$0xD900] =	vst v63  }
0xeb: {  	s16 =	simm.s32 $0xB100;
	s17 =	rddreg [dreg:$0x1d]  }
0xec: {  	[tilespmem:s16], [sflag:$0x1] =	stream.linear.gather [spmem:s15], $0x80, $0x38;
	[tilespmem:$0xD900] =	vst v63  }
0xed: {  	s18 =	simm.s32 $0xB300;
	s15 =	rddreg [dreg:$0x1e]  }
0xee: {  	[tilespmem:s18], [sflag:$0x1] =	stream.linear.gather [spmem:s17], $0x80, $0x38;
	[tilespmem:$0xD900] =	vst v63  }
0xef: {  	s16 =	simm.s32 $0xB500;
	s17 =	rddreg [dreg:$0x1f]  }
0xf0: {  	[tilespmem:s16], [sflag:$0x1] =	stream.linear.gather [spmem:s15], $0x80, $0x38;
	[tilespmem:$0xD900] =	vst v63  }
0xf1: {  	s18 =	simm.s32 $0xB700;
	s15 =	sld [smem:$0x7E0]  }
0xf2: {  	[tilespmem:s18], [sflag:$0x1] =	stream.linear.gather [spmem:s17], $0x80, $0x38;
	[tilespmem:$0xD900] =	vst v63  }
0xf3: {  	s16 =	simm.s32 $0xB900;
	s17 =	sld [smem:$0x7E1]  }
0xf4: {  	[tilespmem:s16], [sflag:$0x1] =	stream.linear.gather [spmem:s15], $0x80, $0x38;
	[tilespmem:$0xD900] =	vst v63  }
0xf5: {  	s18 =	simm.s32 $0xBB00;
	s15 =	sld [smem:$0x7E2]  }
0xf6: {  	[tilespmem:s18], [sflag:$0x1] =	stream.linear.gather [spmem:s17], $0x80, $0x38;
	[tilespmem:$0xD900] =	vst v63  }
0xf7: {  	s16 =	simm.s32 $0xBD00;
	s17 =	sld [smem:$0x7E3]  }
0xf8: {  	[tilespmem:s16], [sflag:$0x1] =	stream.linear.gather [spmem:s15], $0x80, $0x38;
	[tilespmem:$0xD900] =	vst v63  }
0xf9: {  	s18 =	simm.s32 $0xBF00;
	s15 =	sld [smem:$0x7E4]  }
0xfa: {  	[tilespmem:s18], [sflag:$0x1] =	stream.linear.gather [spmem:s17], $0x80, $0x38;
	[tilespmem:$0xD900] =	vst v63  }
0xfb: {  	s16 =	simm.s32 $0xC100;
	s17 =	sld [smem:$0x7E5]  }
0xfc: {  	[tilespmem:s16], [sflag:$0x1] =	stream.linear.gather [spmem:s15], $0x80, $0x38;
	[tilespmem:$0xD900] =	vst v63  }
0xfd: {  	s18 =	simm.s32 $0xC300;
	s15 =	sld [smem:$0x7E6]  }
0xfe: {  	[tilespmem:s18], [sflag:$0x1] =	stream.linear.gather [spmem:s17], $0x80, $0x38;
	[tilespmem:$0xD900] =	vst v63  }
0xff: {  	s16 =	simm.s32 $0xC500;
	s17 =	sld [smem:$0x7E7]  }
0x100: {  	[tilespmem:s16], [sflag:$0x1] =	stream.linear.gather [spmem:s15], $0x80, $0x38;
	[tilespmem:$0xD900] =	vst v63  }
0x101: {  	s18 =	simm.s32 $0xC700  }
0x102: {  	[tilespmem:s18], [sflag:$0x1] =	stream.linear.gather [spmem:s17], $0x80, $0x38;
	[tilespmem:$0xD900] =	vst v63  }
0x103: {  	_ =	swait.ge [sflag:s31], $0x800  }
0x104: {  	[sflag:s31] =	ssyncset.done $0x0;
	s15 =	rddreg [dreg:$0x6]  }
0x105: {  	s16 =	simm.s32 $0xA980;
	s17 =	sld [smem:$0x7E8];
	[sflag:s31] =	ssyncadd.s32 $0xFFFFF800  }
0x106: {  	[tilespmem:s16], [sflag:$0x1] =	stream.linear.gather [spmem:s15], $0x80, $0x38;
	[tilespmem:$0xD900] =	vst v63  }
0x107: {  	s18 =	simm.s32 $0xAB80;
	s15 =	sld [smem:$0x7E9]  }
0x108: {  	[tilespmem:s18], [sflag:$0x1] =	stream.linear.gather [spmem:s17], $0x80, $0x38;
	[tilespmem:$0xD900] =	vst v63  }
0x109: {  	s16 =	simm.s32 $0xAD80;
	s17 =	sld [smem:$0x7EA]  }
0x10a: {  	[tilespmem:s16], [sflag:$0x1] =	stream.linear.gather [spmem:s15], $0x80, $0x38;
	[tilespmem:$0xD900] =	vst v63  }
0x10b: {  	s18 =	simm.s32 $0xAF80;
	s15 =	sld [smem:$0x7EB]  }
0x10c: {  	[tilespmem:s18], [sflag:$0x1] =	stream.linear.gather [spmem:s17], $0x80, $0x38;
	[tilespmem:$0xD900] =	vst v63  }
0x10d: {  	s16 =	simm.s32 $0xB180;
	s17 =	sld [smem:$0x7EC]  }
0x10e: {  	[tilespmem:s16], [sflag:$0x1] =	stream.linear.gather [spmem:s15], $0x80, $0x38;
	[tilespmem:$0xD900] =	vst v63  }
0x10f: {  	s18 =	simm.s32 $0xB380;
	s15 =	sld [smem:$0x7ED]  }
0x110: {  	[tilespmem:s18], [sflag:$0x1] =	stream.linear.gather [spmem:s17], $0x80, $0x38;
	[tilespmem:$0xD900] =	vst v63  }
0x111: {  	s16 =	simm.s32 $0xB580;
	s17 =	sld [smem:$0x7EE]  }
0x112: {  	[tilespmem:s16], [sflag:$0x1] =	stream.linear.gather [spmem:s15], $0x80, $0x38;
	[tilespmem:$0xD900] =	vst v63  }
0x113: {  	s18 =	simm.s32 $0xB780;
	s15 =	sld [smem:$0x7EF]  }
0x114: {  	[tilespmem:s18], [sflag:$0x1] =	stream.linear.gather [spmem:s17], $0x80, $0x38;
	[tilespmem:$0xD900] =	vst v63  }
0x115: {  	s16 =	simm.s32 $0xB980;
	s17 =	sld [smem:$0x7F0]  }
0x116: {  	[tilespmem:s16], [sflag:$0x1] =	stream.linear.gather [spmem:s15], $0x80, $0x38;
	[tilespmem:$0xD900] =	vst v63  }
0x117: {  	s18 =	simm.s32 $0xBB80;
	s15 =	sld [smem:$0x7F1]  }
0x118: {  	[tilespmem:s18], [sflag:$0x1] =	stream.linear.gather [spmem:s17], $0x80, $0x38;
	[tilespmem:$0xD900] =	vst v63  }
0x119: {  	s16 =	simm.s32 $0xBD80;
	s17 =	sld [smem:$0x7F2]  }
0x11a: {  	[tilespmem:s16], [sflag:$0x1] =	stream.linear.gather [spmem:s15], $0x80, $0x38;
	[tilespmem:$0xD900] =	vst v63  }
0x11b: {  	s18 =	simm.s32 $0xBF80;
	s15 =	sld [smem:$0x7F3]  }
0x11c: {  	[tilespmem:s18], [sflag:$0x1] =	stream.linear.gather [spmem:s17], $0x80, $0x38;
	[tilespmem:$0xD900] =	vst v63  }
0x11d: {  	s16 =	simm.s32 $0xC180;
	s17 =	sld [smem:$0x7F4]  }
0x11e: {  	[tilespmem:s16], [sflag:$0x1] =	stream.linear.gather [spmem:s15], $0x80, $0x38;
	[tilespmem:$0xD900] =	vst v63  }
0x11f: {  	s13 =	sld [smem:$0x7F5];
	s18 =	simm.s32 $0xC380  }
0x120: {  	[tilespmem:s18], [sflag:$0x1] =	stream.linear.gather [spmem:s17], $0x80, $0x38;
	[tilespmem:$0xD900] =	vst v63  }
0x121: {  	s15 =	simm.s32 $0xC580;
	s16 =	sld [smem:$0x7F6]  }
0x122: {  	[tilespmem:s15], [sflag:$0x1] =	stream.linear.gather [spmem:s13], $0x80, $0x38;
	[tilespmem:$0xD900] =	vst v63  }
0x123: {  	s17 =	simm.s32 $0xC780  }
0x124: {  	[tilespmem:s17], [sflag:$0x1] =	stream.linear.gather [spmem:s16], $0x80, $0x38;
	[tilespmem:$0xD900] =	vst v63  }
0x125: {  	s12 =	simm.s32 $0x0;
	_ =	swait.ge [sflag:s31], $0x800  }
0x126: {  	s18 =	sand.u32 $0x70, s12;
	s15 =	sand.u32 $0x1E00, s12;
	[sflag:s31] =	ssyncset.done $0x0  }
0x127: {  	s13 =	sor.u32 s18, s15;
	[sflag:s31] =	ssyncadd.s32 $0xFFFFF800  }
0x128: {  	v2 =	vld [tilespmem:s13+$0xA800]  }
0x129: {  	v3 =	vld [tilespmem:s13+$0xA880];
	_ =	sdelay $0x1  }
0x12a: {  	v4 =	vld [tilespmem:s13+$0xA900];
	_ =	sdelay $0x1  }
0x12b: {  	v5 =	vld [tilespmem:s13+$0xA980]  }
0x12c: {  	v2 =	vadd.f32 v3, v2;
	_ =	sdelay $0x1  }
0x12d: {  	v2 =	vadd.f32 v4, v2;
	_ =	sdelay $0x1  }
0x12e: {  	v3 =	vadd.f32 v5, v2;
	_ =	sdelay $0x1  }
0x12f: {  	v2 =	vimm.f32 $-1.000000000e+00;
	(xrf0) =	vmax.scan.msk.f32 $0xffff, v3  }
0x130: {  	(xrf0) =	vmin.scan.msk.f32 $0xffff, v2;
	_ =	sdelay $0x4  }
0x131: {  	v4, _, _ =	vpop (xrf0)  }
0x132: {  	(v2sf) =	vpush v4, $0xF;
	v4, _, _ =	vpop (xrf0)  }
0x133: {  	(v2sf) =	vpush v4, $0xF;
	_ =	sdelay $0xd  }
0x134: {  	s16 =	spop (v2sf)  }
0x135: {  	s17 =	spop (v2sf)  }
0x136: {  	p1 =	sgt.f32 s16, s17;
	_ =	sdelay $0x1  }
0x137: {  	v4 =	vlaneseq.u32 @p1  }
0x138: {  	v4 =	vor.u32 @p1 s12, v4  }
0x139: {  	(xrf1) =	vsort.ascd.msk.f32 @p1 $0xffff, v3, v4;
	_ =	sdelay $0x5  }
0x13a: {  	s13 =	simm.s32 $0x10;
	s12 =	simm.s32 $0x40  }
0x13b: {  	s18 =	simm.s32 $0x0;
	s16 =	sand.u32 $0x70, s13;
	s17 =	sand.u32 $0x1E00, s12  }
0x13c: {  	[tilespmem:s18+$0xC900] =	vst v3;
	s18 =	sor.u32 s16, s17  }
0x13d: {  	v3 =	vld [tilespmem:s18+$0xA800]  }
0x13e: {  	v4 =	vld [tilespmem:s18+$0xA880];
	_ =	sdelay $0x3  }
0x13f: {  	v6, v7, _ =	vpop @p1 (xrf1)  }
0x140: {  	v8 =	vadd.f32 v4, v3;
	v3 =	vimm.s32 $0x0;
	vm0 =	vge.f32 @p1 v2, v6  }
0x141: {  	v4 =	vsel @p1 vm0, v2, v6;
	v6 =	vsel @p1 vm0, v3, v7  }
0x142: {  	(xrf1) =	vsort.dscd.msk.f32 @p1 $0xffff, v4, v6;
	_ =	sdelay $0x5  }
0x143: {  	v5 =	vld [tilespmem:s18+$0xA900];
	_ =	sdelay $0x1  }
0x144: {  	v4 =	vld [tilespmem:s18+$0xA980];
	_ =	sdelay $0x2  }
0x145: {  	v5 =	vadd.f32 v5, v8  }
0x146: {  	s15 =	simm.s32 $0x20  }
.LBB2_9:
0x147: {  	v4 =	vadd.f32 v4, v5;
	s16 =	smov.u32 s15;
	s15 =	sadd.s32 $0x10, s15  }
0x148: {  	s17 =	sshra.s32 s12, $0x2;
	p2 =	sne.s32 s15, $0x800;
	v5, v6, _ =	vpop @p1 (xrf1)  }
0x149: {  	[tilespmem:s17+$0xC900] =	vst v4;
	(xrf0) =	vmax.scan.msk.f32 $0xffff, v4;
	v2 =	vpsel p1, v5, v2;
	v3 =	vpsel p1, v6, v3  }
0x14a: {  	(xrf0) =	vmin.scan.msk.f32 $0xffff, v2;
	_ =	sdelay $0x4  }
0x14b: {  	v5, _, _ =	vpop (xrf0)  }
0x14c: {  	(v2sf) =	vpush v5, $0xF;
	v5, _, _ =	vpop (xrf0)  }
0x14d: {  	(v2sf) =	vpush v5, $0xF;
	_ =	sdelay $0xd  }
0x14e: {  	s17 =	spop (v2sf)  }
0x14f: {  	s18 =	spop (v2sf)  }
0x150: {  	p1 =	sgt.f32 s17, s18;
	_ =	sdelay $0x1  }
0x151: {  	v5 =	vlaneseq.u32 @p1  }
0x152: {  	v5 =	vor.u32 @p1 s13, v5;
	s13 =	smov.u32 s16  }
0x153: {  	(xrf1) =	vsort.ascd.msk.f32 @p1 $0xffff, v4, v5;
	_ =	sdelay $0xd  }
0x154: {  	v4, v5, _ =	vpop @p1 (xrf1)  }
0x155: {  	vm0 =	vge.f32 @p1 v2, v4  }
0x156: {  	v4 =	vsel @p1 vm0, v2, v4;
	v5 =	vsel @p1 vm0, v3, v5  }
0x157: {  	s12 =	sadd.s32 $0x40, s12;
	(xrf1) =	vsort.dscd.msk.f32 @p1 $0xffff, v4, v5  }
0x158: {  	s17 =	sand.u32 $0x1E00, s12;
	s16 =	sand.u32 $0x70, s13  }
0x159: {  	s16 =	sor.u32 s16, s17  }
0x15a: {  	v5 =	vld [tilespmem:s16+$0xA800]  }
0x15b: {  	v6 =	vld [tilespmem:s16+$0xA880]  }
0x15c: {  	v7 =	vld [tilespmem:s16+$0xA900];
	_ =	sdelay $0x1  }
.Ltmp6:
0x15d: {  	v4 =	vld [tilespmem:s16+$0xA980];
	(pc) =	sbr.rel @p2 .LBB2_9-.Ltmp6, $3  }
0x15e: {  	_ = 	snop  }
0x15f: {  	v5 =	vadd.f32 v6, v5;
	_ =	sdelay $0x1  }
0x160: {  	v5 =	vadd.f32 v7, v5  }
.Ltmp7:
0x161: {  	_ = 	snop;
	(pc) =	sbr.rel .LBB2_10-.Ltmp7, $1  }
0x162: {  	_ =	sdelay $0x3  }
.LBB2_12:
0x163: {  	_ =	sfence.sel $0x180000  }
0x164: {  	[bflag:$0x0] =	sbarrier.arrive $0xFFFF  }
0x165: {  	_ =	strace $0x90000047  }
0x166: {  	s0 =	stileid.u32;
	[bflag:$0x2] =	sbarrier.arrive $0xFFFF  }
0x167: {  	p0 =	sne.s32 s0, $0x0;
	s0 =	rddreg [dreg:$0x3]  }
0x168: {  	s0 =	sadd.s32 @!p0 $0x100000, s0  }
0x169: {  	[sflag:s0] =	ssyncadd.tile.s32 @!p0 $0x1;
	_ =	shalt  }
.Lfunc_end2:
_tile_overlayer_lowered:
.L_overlay_start_2:
0x16a: {  	(tag) =	ssettag $0x2  }
0x16b: {  	s0 =	rddreg [dreg:$0x0];
	s2 =	stileid.u32  }
0x16c: {  	s1 =	rddreg [dreg:$0x1];
	p0 =	sne.s32 s2, $0x0  }
0x16d: {  	s3 =	rddreg [dreg:$0x2];
	[bflag:$0x3] =	sbarrier.arrive $0xFFFF;
	s2 =	simm.s32 @!p0 $0x1C01  }
0x16e: {  	[timem:s3], [sflag:s2] =	dma.local @!p0 [hbm:s0], s1  }
0x16f: {  	s0 =	simm.s32 @!p0 $0x1  }
0x170: {  	_ =	swait.ge @!p0 [sflag:s0], s1  }
0x171: {  	s1 =	ssub.s32 @!p0 $0x0, s1;
	[sflag:s0] =	ssyncset.done @!p0 $0x0  }
0x172: {  	[sflag:s0] =	ssyncadd.s32 @!p0 s1  }
0x173: {  	[bflag:$0x3] =	sbarrier.arrive $0xFFFF  }
0x174: {  	_ =	shalt  }

</sc_bundles>
